<compile_context>
chip_gen: v7x
topology: tpu7x:2x2x1
jax: 0.10.2.dev20260603
libtpu: 0.0.44.dev20260713+nightly
codegen_flags: <defaults>
</compile_context>

<pallas_src>
import functools
import jax
import jax.numpy as jnp
from jax import lax
from jax.experimental import pallas as pl
from jax.experimental.pallas import tpu as pltpu
from jax.experimental.pallas import tpu_sc as plsc

N = 10000
E = 320000
D = 128
NPAD = 10240
ROWS_PER_TILE = NPAD // 16
NBLK = 79
EPW = NBLK * 128
EPAD = 32 * EPW
DEG_EPW = EPAD // 32
PADIDX = NPAD - 1

_mesh = plsc.VectorSubcoreMesh(core_axis_name="c", subcore_axis_name="s")


@functools.partial(
    pl.kernel,
    mesh=_mesh,
    out_type=jax.ShapeDtypeStruct((2, NPAD), jnp.float32),
    scratch_types=[
        pltpu.VMEM((DEG_EPW,), jnp.int32),
        pltpu.VMEM((NPAD,), jnp.float32),
        pltpu.VMEM((ROWS_PER_TILE,), jnp.float32),
        pltpu.VMEM((ROWS_PER_TILE,), jnp.float32),
        pltpu.VMEM_SHARED((16, NPAD), jnp.float32),
    ],
    compiler_params=pltpu.CompilerParams(needs_layout_passes=False),
)
def _deg_kernel(pk_hbm, deg_out, pk_v, deg_v, tmp_v, red_v, slots):
    c = lax.axis_index("c")
    s = lax.axis_index("s")
    wid = c * 16 + s
    pltpu.sync_copy(pk_hbm.at[wid], pk_v)

    zeros16 = jnp.zeros((16,), jnp.float32)

    @pl.loop(0, NPAD // 16)
    def _(i):
        deg_v[pl.ds(i * 16, 16)] = zeros16

    @pl.loop(0, DEG_EPW // 16)
    def _(i):
        idx = lax.shift_right_logical(pk_v[pl.ds(i * 16, 16)], 14)
        cnt, last = plsc.scan_count(idx)
        plsc.addupdate_scatter(
            deg_v, [idx], cnt.astype(jnp.float32), mask=last)

    pltpu.sync_copy(deg_v, slots.at[s])
    plsc.subcore_barrier()

    @pl.loop(0, ROWS_PER_TILE // 16)
    def _(i):
        red_v[pl.ds(i * 16, 16)] = zeros16

    @pl.loop(0, 16)
    def _(t):
        pltpu.sync_copy(slots.at[t, pl.ds(s * ROWS_PER_TILE, ROWS_PER_TILE)],
                        tmp_v)

        @pl.loop(0, ROWS_PER_TILE // 16)
        def _(i):
            sl = pl.ds(i * 16, 16)
            red_v[sl] = red_v[sl] + tmp_v[sl]

    pltpu.sync_copy(red_v,
                    deg_out.at[c, pl.ds(s * ROWS_PER_TILE, ROWS_PER_TILE)])


def _scale_body(x_ref, w_ref, d0_ref, d1_ref, scaled_ref, dis_ref):
    deg = d0_ref[...] + d1_ref[...] + 1.0
    dis = lax.rsqrt(deg)
    xw = jnp.dot(x_ref[...], w_ref[...], preferred_element_type=jnp.float32)
    scaled_ref[...] = xw * dis
    dis_ref[...] = dis


def _scale_call(x_pad, W, deg0, deg1):
    blk = 512
    grid = NPAD // blk
    return pl.pallas_call(
        _scale_body,
        grid=(grid,),
        in_specs=[
            pl.BlockSpec((blk, D), lambda i: (i, 0)),
            pl.BlockSpec((D, D), lambda i: (0, 0)),
            pl.BlockSpec((blk, 1), lambda i: (i, 0)),
            pl.BlockSpec((blk, 1), lambda i: (i, 0)),
        ],
        out_specs=[
            pl.BlockSpec((blk, D), lambda i: (i, 0)),
            pl.BlockSpec((blk, 1), lambda i: (i, 0)),
        ],
        out_shape=[
            jax.ShapeDtypeStruct((NPAD, D), jnp.float32),
            jax.ShapeDtypeStruct((NPAD, 1), jnp.float32),
        ],
    )(x_pad, W, deg0, deg1)


@functools.partial(
    pl.kernel,
    mesh=_mesh,
    out_type=jax.ShapeDtypeStruct((2, NPAD, D), jnp.float32),
    scratch_types=[
        pltpu.VMEM((NBLK, 128), jnp.int32),
        pltpu.VMEM((NBLK, 128), jnp.int32),
        pltpu.VMEM((128, D), jnp.float32),
        pltpu.SemaphoreType.DMA,
        pltpu.VMEM_SHARED((NPAD, D), jnp.float32),
    ],
    compiler_params=pltpu.CompilerParams(needs_layout_passes=False),
)
def _msg_kernel(src_hbm, dst_hbm, scaled_hbm, accs_out,
                src_v, dst_v, rows, sem, acc_sh):
    c = lax.axis_index("c")
    s = lax.axis_index("s")
    wid = c * 16 + s
    pltpu.sync_copy(src_hbm.at[wid], src_v)
    pltpu.sync_copy(dst_hbm.at[wid], dst_v)

    @pl.loop(0, ROWS_PER_TILE // 128)
    def _(i):
        pltpu.sync_copy(
            scaled_hbm.at[pl.ds(N, 128)],
            acc_sh.at[pl.ds(s * ROWS_PER_TILE + i * 128, 128)])
    plsc.subcore_barrier()

    @pl.loop(0, NBLK)
    def _(j):
        pltpu.async_copy(scaled_hbm.at[src_v.at[j]], rows, sem).wait()
        pltpu.sync_copy(rows, acc_sh.at[dst_v.at[j]], add=True)

    plsc.subcore_barrier()
    pltpu.sync_copy(
        acc_sh.at[pl.ds(s * ROWS_PER_TILE, ROWS_PER_TILE)],
        accs_out.at[c, pl.ds(s * ROWS_PER_TILE, ROWS_PER_TILE)])


def _combine_body(a0_ref, a1_ref, sc_ref, dis_ref, b_ref, out_ref):
    acc = a0_ref[...] + a1_ref[...] + sc_ref[...]
    out_ref[...] = acc * dis_ref[...] + b_ref[...]


def _combine_call(a0, a1, scaled, dis, b2d):
    blk = 400
    grid = N // blk
    row_spec = pl.BlockSpec((blk, D), lambda i: (i, 0))
    return pl.pallas_call(
        _combine_body,
        grid=(grid,),
        in_specs=[
            row_spec, row_spec, row_spec,
            pl.BlockSpec((blk, 1), lambda i: (i, 0)),
            pl.BlockSpec((1, D), lambda i: (0, 0)),
        ],
        out_specs=row_spec,
        out_shape=jax.ShapeDtypeStruct((N, D), jnp.float32),
    )(a0, a1, scaled, dis, b2d)


def kernel(x, edge_index, W, b):
    src = edge_index[0].astype(jnp.int32)
    dst = edge_index[1].astype(jnp.int32)
    padv = jnp.full((EPAD - E,), PADIDX, jnp.int32)
    src_p = jnp.concatenate([src, padv])
    dst_p = jnp.concatenate([dst, padv])
    packed = jnp.bitwise_or(jnp.left_shift(dst_p, 14), src_p)
    pk_deg = packed.reshape(32, DEG_EPW)

    x_pad = jnp.zeros((NPAD, D), jnp.float32).at[:N].set(x)

    deg2 = _deg_kernel(pk_deg)
    deg0 = deg2[0].reshape(NPAD, 1)
    deg1 = deg2[1].reshape(NPAD, 1)

    scaled, dis = _scale_call(x_pad, W, deg0, deg1)

    accs = _msg_kernel(src_p.reshape(32, NBLK, 128),
                       dst_p.reshape(32, NBLK, 128), scaled)

    out = _combine_call(accs[0], accs[1], scaled, dis, b.reshape(1, D))
    return out

# --- scband reference (transcript-rebuilt; emitter-appended) ---
"""Pipeline reference for scband-chembl-gcnconv-77025943487099 (READ-ONLY COPY).

The authoritative reference and input builder live on the scoring server;
editing this copy changes nothing except your own understanding.
"""

import jax, jax.numpy as jnp
import numpy as np

N_NODES = 10000
N_EDGES = 320000
D_IN = 128
D_OUT = 128


def setup_inputs(seed: int = 0) -> dict:
    key = jax.random.key(seed)
    k1, k2, k3, k4 = jax.random.split(key, 4)
    x = jax.random.normal(k1, (N_NODES, D_IN), dtype=jnp.float32)
    edge_index = jax.random.randint(k2, (2, N_EDGES), 0, N_NODES, dtype=jnp.int64)
    # LazyGCNConv learned parameters: linear weight [D_IN, D_OUT] and bias [D_OUT]
    W = jax.random.normal(k3, (D_IN, D_OUT), dtype=jnp.float32) * (1.0 / np.sqrt(D_IN))
    b = jnp.zeros((D_OUT,), dtype=jnp.float32)
    return {"x": x, "edge_index": edge_index, "W": W, "b": b}


def reference(x, edge_index, W, b):
    # Faithful GCNConv forward (Kipf & Welling): add self-loops, symmetric
    # degree normalization, linear transform, scatter-add aggregation.
    N = x.shape[0]
    src = edge_index[0]
    dst = edge_index[1]
    # add self-loops
    loop = jnp.arange(N, dtype=edge_index.dtype)
    src = jnp.concatenate([src, loop], axis=0)
    dst = jnp.concatenate([dst, loop], axis=0)
    # degree computed on destination nodes (scatter-add of unit edge weights)
    deg = jnp.zeros((N,), dtype=x.dtype).at[dst].add(1.0)
    deg_inv_sqrt = jnp.where(deg > 0, jax.lax.rsqrt(deg), 0.0)
    norm = deg_inv_sqrt[src] * deg_inv_sqrt[dst]
    # linear transform then gather source features
    xw = x @ W
    msg = xw[src] * norm[:, None]
    # scatter-add aggregation to destination nodes
    out = jax.ops.segment_sum(msg, dst, num_segments=N)
    out = out + b
    return out

if __name__ == "__main__":
    import jax
    _d = setup_inputs()
    print(jax.jit(kernel)(*tuple(_d.values())))

</pallas_src>

<mosaic_0001>
#map = affine_map<(d0, d1) -> (0, 0)>
module attributes {stable_mosaic.version = 14 : i64} {
  func.func @_deg_kernel(%arg0: i32, %arg1: i32, %arg2: memref<32x10112xi32, #tpu.memory_space<hbm>>, %arg3: memref<2x10240xf32, #tpu.memory_space<hbm>>, %arg4: memref<10112xi32, #tpu.memory_space<vmem>>, %arg5: memref<10240xf32, #tpu.memory_space<vmem>>, %arg6: memref<640xf32, #tpu.memory_space<vmem>>, %arg7: memref<640xf32, #tpu.memory_space<vmem>>, %arg8: memref<16x10240xf32, #tpu.memory_space<vmem_shared>>) attributes {dimension_semantics = [#tpu.dimension_semantics<core_parallel>, #tpu.dimension_semantics<subcore_parallel>], iteration_bounds = array<i64: 2, 16>, scalar_prefetch = 0 : i64, scratch_operands = 5 : i64, tpu.core_type = #tpu.core_type<sc_vector_subcore>, window_params = [{transform_indices = #map}, {transform_indices = #map}]} {
    %mul3A = arith.constant 16 : i32
    %mul3A_0 = arith.muli %arg0, %mul3A : i32
    %add3A = arith.addi %mul3A_0, %arg1 : i32
    "tpu.region"() ({
      %run_scoped3A = tpu.sem_alloc : memref<!tpu.dma_semaphore, #tpu.memory_space<semaphore_mem>>
      %dma_start3A = arith.constant 0 : i32
      %dma_start3A_23 = tpu.memref_slice %arg2[%add3A, %dma_start3A] : memref<32x10112xi32, #tpu.memory_space<hbm>> -> memref<1x10112xi32, #tpu.memory_space<hbm>>
      %dma_start3A_24 = tpu.memref_squeeze %dma_start3A_23 : memref<1x10112xi32, #tpu.memory_space<hbm>> -> memref<10112xi32, #tpu.memory_space<hbm>>
      %dma_start3A_25 = arith.constant 0 : i32
      %dma_start3A_26 = tpu.memref_slice %arg2[%add3A, %dma_start3A_25] : memref<32x10112xi32, #tpu.memory_space<hbm>> -> memref<1x10112xi32, #tpu.memory_space<hbm>>
      %dma_start3A_27 = tpu.memref_squeeze %dma_start3A_26 : memref<1x10112xi32, #tpu.memory_space<hbm>> -> memref<10112xi32, #tpu.memory_space<hbm>>
      tpu.enqueue_dma source(%dma_start3A_27 : memref<10112xi32, #tpu.memory_space<hbm>>) target(%arg4 : memref<10112xi32, #tpu.memory_space<vmem>>) target_semaphore(%run_scoped3A : memref<!tpu.dma_semaphore, #tpu.memory_space<semaphore_mem>>)
      %dma_wait3A = arith.constant 0 : i32
      %dma_wait3A_28 = tpu.memref_slice %arg2[%add3A, %dma_wait3A] : memref<32x10112xi32, #tpu.memory_space<hbm>> -> memref<1x10112xi32, #tpu.memory_space<hbm>>
      %dma_wait3A_29 = tpu.memref_squeeze %dma_wait3A_28 : memref<1x10112xi32, #tpu.memory_space<hbm>> -> memref<10112xi32, #tpu.memory_space<hbm>>
      %dma_wait3A_30 = arith.constant 0 : i32
      %dma_wait3A_31 = tpu.memref_slice %arg2[%add3A, %dma_wait3A_30] : memref<32x10112xi32, #tpu.memory_space<hbm>> -> memref<1x10112xi32, #tpu.memory_space<hbm>>
      %dma_wait3A_32 = tpu.memref_squeeze %dma_wait3A_31 : memref<1x10112xi32, #tpu.memory_space<hbm>> -> memref<10112xi32, #tpu.memory_space<hbm>>
      tpu.wait_dma2 semaphore(%run_scoped3A : memref<!tpu.dma_semaphore, #tpu.memory_space<semaphore_mem>>) src(%dma_wait3A_32 : memref<10112xi32, #tpu.memory_space<hbm>>) dst(%arg4 : memref<10112xi32, #tpu.memory_space<vmem>>)
      tpu.yield
    }) : () -> ()
    %broadcast_in_dim3A = arith.constant 0.000000e+00 : f32
    %broadcast_in_dim3A_1 = vector.broadcast %broadcast_in_dim3A : f32 to vector<16xf32>
    %scan3A = arith.constant 0 : i32
    %scan3A_2 = arith.constant 640 : i32
    %scan3A_3 = arith.addi %scan3A, %scan3A_2 : i32
    %scan3A_4 = arith.constant 1 : i32
    scf.for %scan3A_23 = %scan3A to %scan3A_3 step %scan3A_4  : i32 {
      %mul3A_24 = arith.constant 1 : i32
      %mul3A_25 = arith.muli %scan3A_23, %mul3A_24 : i32
      %add3A_26 = arith.constant 0 : i32
      %add3A_27 = arith.addi %add3A_26, %mul3A_25 : i32
      %mul3A_28 = arith.constant 16 : i32
      %mul3A_29 = arith.muli %add3A_27, %mul3A_28 : i32
      %swap3A = arith.index_cast %mul3A_29 : i32 to index
      %swap3A_30 = tpu.vector_load %arg5[%swap3A] {strides = array<i32>} : memref<10240xf32, #tpu.memory_space<vmem>>, vector<16xf32>,
      tpu.vector_store %arg5[%swap3A], %broadcast_in_dim3A_1 {strides = array<i32>} : memref<10240xf32, #tpu.memory_space<vmem>>, vector<16xf32>,
    }
    %scan3A_5 = arith.constant 640 : i32
    %scan3A_6 = arith.constant 0 : i32
    %scan3A_7 = arith.constant 632 : i32
    %scan3A_8 = arith.addi %scan3A_6, %scan3A_7 : i32
    %scan3A_9 = arith.constant 1 : i32
    scf.for %scan3A_23 = %scan3A_6 to %scan3A_8 step %scan3A_9  : i32 {
      %mul3A_24 = arith.constant 1 : i32
      %mul3A_25 = arith.muli %scan3A_23, %mul3A_24 : i32
      %add3A_26 = arith.constant 0 : i32
      %add3A_27 = arith.addi %add3A_26, %mul3A_25 : i32
      %mul3A_28 = arith.constant 16 : i32
      %mul3A_29 = arith.muli %add3A_27, %mul3A_28 : i32
      %get3A = arith.index_cast %mul3A_29 : i32 to index
      %get3A_30 = tpu.vector_load %arg4[%get3A] {strides = array<i32>} : memref<10112xi32, #tpu.memory_space<vmem>>, vector<16xi32>,
      %shift_right_logical3A = arith.constant 14 : i32
      %shift_right_logical3A_31 = vector.broadcast %shift_right_logical3A : i32 to vector<16xi32>
      %shift_right_logical3A_32 = arith.shrui %get3A_30, %shift_right_logical3A_31 : vector<16xi32>
      %broadcast_in_dim3A_33 = arith.constant true
      %broadcast_in_dim3A_34 = vector.broadcast %broadcast_in_dim3A_33 : i1 to vector<16xi1>
      %unique3A, %unique3A_35 = tpu.scan_count mask(%broadcast_in_dim3A_34 : vector<16xi1>) value(%shift_right_logical3A_32 : vector<16xi32>) : vector<16xi1>, vector<16xi32>
      %convert_element_type3A = arith.sitofp %unique3A_35 : vector<16xi32> to vector<16xf32>
      tpu.vector_store_idx %arg5[%shift_right_logical3A_32], %convert_element_type3A masked %unique3A {add = true} : memref<10240xf32, #tpu.memory_space<vmem>>[vector<16xi32>], vector<16xf32>, vector<16xi1>
    }
    %scan3A_10 = arith.constant 632 : i32
    "tpu.region"() ({
      %run_scoped3A = tpu.sem_alloc : memref<!tpu.dma_semaphore, #tpu.memory_space<semaphore_mem>>
      %dma_start3A = arith.constant 0 : i32
      %dma_start3A_23 = tpu.memref_slice %arg8[%arg1, %dma_start3A] : memref<16x10240xf32, #tpu.memory_space<vmem_shared>> -> memref<1x10240xf32, #tpu.memory_space<vmem_shared>>
      %dma_start3A_24 = tpu.memref_squeeze %dma_start3A_23 : memref<1x10240xf32, #tpu.memory_space<vmem_shared>> -> memref<10240xf32, #tpu.memory_space<vmem_shared>>
      %dma_start3A_25 = arith.constant 0 : i32
      %dma_start3A_26 = tpu.memref_slice %arg8[%arg1, %dma_start3A_25] : memref<16x10240xf32, #tpu.memory_space<vmem_shared>> -> memref<1x10240xf32, #tpu.memory_space<vmem_shared>>
      %dma_start3A_27 = tpu.memref_squeeze %dma_start3A_26 : memref<1x10240xf32, #tpu.memory_space<vmem_shared>> -> memref<10240xf32, #tpu.memory_space<vmem_shared>>
      tpu.enqueue_dma source(%arg5 : memref<10240xf32, #tpu.memory_space<vmem>>) target(%dma_start3A_27 : memref<10240xf32, #tpu.memory_space<vmem_shared>>) target_semaphore(%run_scoped3A : memref<!tpu.dma_semaphore, #tpu.memory_space<semaphore_mem>>)
      %dma_wait3A = arith.constant 0 : i32
      %dma_wait3A_28 = tpu.memref_slice %arg8[%arg1, %dma_wait3A] : memref<16x10240xf32, #tpu.memory_space<vmem_shared>> -> memref<1x10240xf32, #tpu.memory_space<vmem_shared>>
      %dma_wait3A_29 = tpu.memref_squeeze %dma_wait3A_28 : memref<1x10240xf32, #tpu.memory_space<vmem_shared>> -> memref<10240xf32, #tpu.memory_space<vmem_shared>>
      %dma_wait3A_30 = arith.constant 0 : i32
      %dma_wait3A_31 = tpu.memref_slice %arg8[%arg1, %dma_wait3A_30] : memref<16x10240xf32, #tpu.memory_space<vmem_shared>> -> memref<1x10240xf32, #tpu.memory_space<vmem_shared>>
      %dma_wait3A_32 = tpu.memref_squeeze %dma_wait3A_31 : memref<1x10240xf32, #tpu.memory_space<vmem_shared>> -> memref<10240xf32, #tpu.memory_space<vmem_shared>>
      tpu.wait_dma2 semaphore(%run_scoped3A : memref<!tpu.dma_semaphore, #tpu.memory_space<semaphore_mem>>) src(%arg5 : memref<10240xf32, #tpu.memory_space<vmem>>) dst(%dma_wait3A_32 : memref<10240xf32, #tpu.memory_space<vmem_shared>>)
      tpu.yield
    }) : () -> ()
    %barrier3A = arith.constant 0 : index
    tpu.barrier barrier_id(%barrier3A)
    %scan3A_11 = arith.constant 0 : i32
    %scan3A_12 = arith.constant 40 : i32
    %scan3A_13 = arith.addi %scan3A_11, %scan3A_12 : i32
    %scan3A_14 = arith.constant 1 : i32
    scf.for %scan3A_23 = %scan3A_11 to %scan3A_13 step %scan3A_14  : i32 {
      %mul3A_24 = arith.constant 1 : i32
      %mul3A_25 = arith.muli %scan3A_23, %mul3A_24 : i32
      %add3A_26 = arith.constant 0 : i32
      %add3A_27 = arith.addi %add3A_26, %mul3A_25 : i32
      %mul3A_28 = arith.constant 16 : i32
      %mul3A_29 = arith.muli %add3A_27, %mul3A_28 : i32
      %swap3A = arith.index_cast %mul3A_29 : i32 to index
      %swap3A_30 = tpu.vector_load %arg7[%swap3A] {strides = array<i32>} : memref<640xf32, #tpu.memory_space<vmem>>, vector<16xf32>,
      tpu.vector_store %arg7[%swap3A], %broadcast_in_dim3A_1 {strides = array<i32>} : memref<640xf32, #tpu.memory_space<vmem>>, vector<16xf32>,
    }
    %scan3A_15 = arith.constant 40 : i32
    %scan3A_16 = arith.constant 0 : i32
    %scan3A_17 = arith.constant 16 : i32
    %scan3A_18 = arith.addi %scan3A_16, %scan3A_17 : i32
    %scan3A_19 = arith.constant 1 : i32
    scf.for %scan3A_23 = %scan3A_16 to %scan3A_18 step %scan3A_19  : i32 {
      %mul3A_24 = arith.constant 1 : i32
      %mul3A_25 = arith.muli %scan3A_23, %mul3A_24 : i32
      %add3A_26 = arith.constant 0 : i32
      %add3A_27 = arith.addi %add3A_26, %mul3A_25 : i32
      %mul3A_28 = arith.constant 640 : i32
      %mul3A_29 = arith.muli %arg1, %mul3A_28 : i32
      "tpu.region"() ({
        %run_scoped3A = tpu.sem_alloc : memref<!tpu.dma_semaphore, #tpu.memory_space<semaphore_mem>>
        %dma_start3A = tpu.memref_slice %arg8[%add3A_27, %mul3A_29] : memref<16x10240xf32, #tpu.memory_space<vmem_shared>> -> memref<1x640xf32, #tpu.memory_space<vmem_shared>>
        %dma_start3A_35 = tpu.memref_squeeze %dma_start3A : memref<1x640xf32, #tpu.memory_space<vmem_shared>> -> memref<640xf32, #tpu.memory_space<vmem_shared>>
        %dma_start3A_36 = tpu.memref_slice %arg8[%add3A_27, %mul3A_29] : memref<16x10240xf32, #tpu.memory_space<vmem_shared>> -> memref<1x640xf32, #tpu.memory_space<vmem_shared>>
        %dma_start3A_37 = tpu.memref_squeeze %dma_start3A_36 : memref<1x640xf32, #tpu.memory_space<vmem_shared>> -> memref<640xf32, #tpu.memory_space<vmem_shared>>
        tpu.enqueue_dma source(%dma_start3A_37 : memref<640xf32, #tpu.memory_space<vmem_shared>>) target(%arg6 : memref<640xf32, #tpu.memory_space<vmem>>) target_semaphore(%run_scoped3A : memref<!tpu.dma_semaphore, #tpu.memory_space<semaphore_mem>>)
        %dma_wait3A = tpu.memref_slice %arg8[%add3A_27, %mul3A_29] : memref<16x10240xf32, #tpu.memory_space<vmem_shared>> -> memref<1x640xf32, #tpu.memory_space<vmem_shared>>
        %dma_wait3A_38 = tpu.memref_squeeze %dma_wait3A : memref<1x640xf32, #tpu.memory_space<vmem_shared>> -> memref<640xf32, #tpu.memory_space<vmem_shared>>
        %dma_wait3A_39 = tpu.memref_slice %arg8[%add3A_27, %mul3A_29] : memref<16x10240xf32, #tpu.memory_space<vmem_shared>> -> memref<1x640xf32, #tpu.memory_space<vmem_shared>>
        %dma_wait3A_40 = tpu.memref_squeeze %dma_wait3A_39 : memref<1x640xf32, #tpu.memory_space<vmem_shared>> -> memref<640xf32, #tpu.memory_space<vmem_shared>>
        tpu.wait_dma2 semaphore(%run_scoped3A : memref<!tpu.dma_semaphore, #tpu.memory_space<semaphore_mem>>) src(%dma_wait3A_40 : memref<640xf32, #tpu.memory_space<vmem_shared>>) dst(%arg6 : memref<640xf32, #tpu.memory_space<vmem>>)
        tpu.yield
      }) : () -> ()
      %scan3A_30 = arith.constant 0 : i32
      %scan3A_31 = arith.constant 40 : i32
      %scan3A_32 = arith.addi %scan3A_30, %scan3A_31 : i32
      %scan3A_33 = arith.constant 1 : i32
      scf.for %scan3A_35 = %scan3A_30 to %scan3A_32 step %scan3A_33  : i32 {
        %mul3A_36 = arith.constant 1 : i32
        %mul3A_37 = arith.muli %scan3A_35, %mul3A_36 : i32
        %add3A_38 = arith.constant 0 : i32
        %add3A_39 = arith.addi %add3A_38, %mul3A_37 : i32
        %mul3A_40 = arith.constant 16 : i32
        %mul3A_41 = arith.muli %add3A_39, %mul3A_40 : i32
        %get3A = arith.index_cast %mul3A_41 : i32 to index
        %get3A_42 = tpu.vector_load %arg7[%get3A] {strides = array<i32>} : memref<640xf32, #tpu.memory_space<vmem>>, vector<16xf32>,
        %get3A_43 = arith.index_cast %mul3A_41 : i32 to index
        %get3A_44 = tpu.vector_load %arg6[%get3A_43] {strides = array<i32>} : memref<640xf32, #tpu.memory_space<vmem>>, vector<16xf32>,
        %add3A_45 = arith.addf %get3A_42, %get3A_44 : vector<16xf32>
        %swap3A = arith.index_cast %mul3A_41 : i32 to index
        %swap3A_46 = tpu.vector_load %arg7[%swap3A] {strides = array<i32>} : memref<640xf32, #tpu.memory_space<vmem>>, vector<16xf32>,
        tpu.vector_store %arg7[%swap3A], %add3A_45 {strides = array<i32>} : memref<640xf32, #tpu.memory_space<vmem>>, vector<16xf32>,
      }
      %scan3A_34 = arith.constant 40 : i32
    }
    %scan3A_20 = arith.constant 16 : i32
    %mul3A_21 = arith.constant 640 : i32
    %mul3A_22 = arith.muli %arg1, %mul3A_21 : i32
    "tpu.region"() ({
      %run_scoped3A = tpu.sem_alloc : memref<!tpu.dma_semaphore, #tpu.memory_space<semaphore_mem>>
      %dma_start3A = tpu.memref_slice %arg3[%arg0, %mul3A_22] : memref<2x10240xf32, #tpu.memory_space<hbm>> -> memref<1x640xf32, #tpu.memory_space<hbm>>
      %dma_start3A_23 = tpu.memref_squeeze %dma_start3A : memref<1x640xf32, #tpu.memory_space<hbm>> -> memref<640xf32, #tpu.memory_space<hbm>>
      %dma_start3A_24 = tpu.memref_slice %arg3[%arg0, %mul3A_22] : memref<2x10240xf32, #tpu.memory_space<hbm>> -> memref<1x640xf32, #tpu.memory_space<hbm>>
      %dma_start3A_25 = tpu.memref_squeeze %dma_start3A_24 : memref<1x640xf32, #tpu.memory_space<hbm>> -> memref<640xf32, #tpu.memory_space<hbm>>
      tpu.enqueue_dma source(%arg7 : memref<640xf32, #tpu.memory_space<vmem>>) target(%dma_start3A_25 : memref<640xf32, #tpu.memory_space<hbm>>) target_semaphore(%run_scoped3A : memref<!tpu.dma_semaphore, #tpu.memory_space<semaphore_mem>>)
      %dma_wait3A = tpu.memref_slice %arg3[%arg0, %mul3A_22] : memref<2x10240xf32, #tpu.memory_space<hbm>> -> memref<1x640xf32, #tpu.memory_space<hbm>>
      %dma_wait3A_26 = tpu.memref_squeeze %dma_wait3A : memref<1x640xf32, #tpu.memory_space<hbm>> -> memref<640xf32, #tpu.memory_space<hbm>>
      %dma_wait3A_27 = tpu.memref_slice %arg3[%arg0, %mul3A_22] : memref<2x10240xf32, #tpu.memory_space<hbm>> -> memref<1x640xf32, #tpu.memory_space<hbm>>
      %dma_wait3A_28 = tpu.memref_squeeze %dma_wait3A_27 : memref<1x640xf32, #tpu.memory_space<hbm>> -> memref<640xf32, #tpu.memory_space<hbm>>
      tpu.wait_dma2 semaphore(%run_scoped3A : memref<!tpu.dma_semaphore, #tpu.memory_space<semaphore_mem>>) src(%arg7 : memref<640xf32, #tpu.memory_space<vmem>>) dst(%dma_wait3A_28 : memref<640xf32, #tpu.memory_space<hbm>>)
      tpu.yield
    }) : () -> ()
    return
  }
}

#map = affine_map<(d0, d1) -> (0, 0, 0)>
#map1 = affine_map<(d0, d1) -> (0, 0)>
module attributes {stable_mosaic.version = 14 : i64} {
  func.func @_msg_kernel(%arg0: i32, %arg1: i32, %arg2: memref<32x79x128xi32, #tpu.memory_space<hbm>>, %arg3: memref<32x79x128xi32, #tpu.memory_space<hbm>>, %arg4: memref<10240x128xf32, #tpu.memory_space<hbm>>, %arg5: memref<2x10240x128xf32, #tpu.memory_space<hbm>>, %arg6: memref<79x128xi32, #tpu.memory_space<vmem>>, %arg7: memref<79x128xi32, #tpu.memory_space<vmem>>, %arg8: memref<128x128xf32, #tpu.memory_space<vmem>>, %arg9: memref<!tpu.dma_semaphore, #tpu.memory_space<semaphore_mem>>, %arg10: memref<10240x128xf32, #tpu.memory_space<vmem_shared>>) attributes {dimension_semantics = [#tpu.dimension_semantics<core_parallel>, #tpu.dimension_semantics<subcore_parallel>], iteration_bounds = array<i64: 2, 16>, scalar_prefetch = 0 : i64, scratch_operands = 5 : i64, tpu.core_type = #tpu.core_type<sc_vector_subcore>, window_params = [{transform_indices = #map}, {transform_indices = #map}, {transform_indices = #map1}, {transform_indices = #map}]} {
    %mul3A = arith.constant 16 : i32
    %mul3A_0 = arith.muli %arg0, %mul3A : i32
    %add3A = arith.addi %mul3A_0, %arg1 : i32
    "tpu.region"() ({
      %run_scoped3A = tpu.sem_alloc : memref<!tpu.dma_semaphore, #tpu.memory_space<semaphore_mem>>
      %dma_start3A = arith.constant 0 : i32
      %dma_start3A_15 = arith.constant 0 : i32
      %dma_start3A_16 = tpu.memref_slice %arg2[%add3A, %dma_start3A, %dma_start3A_15] : memref<32x79x128xi32, #tpu.memory_space<hbm>> -> memref<1x79x128xi32, #tpu.memory_space<hbm>>
      %dma_start3A_17 = tpu.memref_squeeze %dma_start3A_16 : memref<1x79x128xi32, #tpu.memory_space<hbm>> -> memref<79x128xi32, #tpu.memory_space<hbm>>
      %dma_start3A_18 = arith.constant 0 : i32
      %dma_start3A_19 = arith.constant 0 : i32
      %dma_start3A_20 = tpu.memref_slice %arg2[%add3A, %dma_start3A_18, %dma_start3A_19] : memref<32x79x128xi32, #tpu.memory_space<hbm>> -> memref<1x79x128xi32, #tpu.memory_space<hbm>>
      %dma_start3A_21 = tpu.memref_squeeze %dma_start3A_20 : memref<1x79x128xi32, #tpu.memory_space<hbm>> -> memref<79x128xi32, #tpu.memory_space<hbm>>
      tpu.enqueue_dma source(%dma_start3A_21 : memref<79x128xi32, #tpu.memory_space<hbm>>) target(%arg6 : memref<79x128xi32, #tpu.memory_space<vmem>>) target_semaphore(%run_scoped3A : memref<!tpu.dma_semaphore, #tpu.memory_space<semaphore_mem>>)
      %dma_wait3A = arith.constant 0 : i32
      %dma_wait3A_22 = arith.constant 0 : i32
      %dma_wait3A_23 = tpu.memref_slice %arg2[%add3A, %dma_wait3A, %dma_wait3A_22] : memref<32x79x128xi32, #tpu.memory_space<hbm>> -> memref<1x79x128xi32, #tpu.memory_space<hbm>>
      %dma_wait3A_24 = tpu.memref_squeeze %dma_wait3A_23 : memref<1x79x128xi32, #tpu.memory_space<hbm>> -> memref<79x128xi32, #tpu.memory_space<hbm>>
      %dma_wait3A_25 = arith.constant 0 : i32
      %dma_wait3A_26 = arith.constant 0 : i32
      %dma_wait3A_27 = tpu.memref_slice %arg2[%add3A, %dma_wait3A_25, %dma_wait3A_26] : memref<32x79x128xi32, #tpu.memory_space<hbm>> -> memref<1x79x128xi32, #tpu.memory_space<hbm>>
      %dma_wait3A_28 = tpu.memref_squeeze %dma_wait3A_27 : memref<1x79x128xi32, #tpu.memory_space<hbm>> -> memref<79x128xi32, #tpu.memory_space<hbm>>
      tpu.wait_dma2 semaphore(%run_scoped3A : memref<!tpu.dma_semaphore, #tpu.memory_space<semaphore_mem>>) src(%dma_wait3A_28 : memref<79x128xi32, #tpu.memory_space<hbm>>) dst(%arg6 : memref<79x128xi32, #tpu.memory_space<vmem>>)
      tpu.yield
    }) : () -> ()
    "tpu.region"() ({
      %run_scoped3A = tpu.sem_alloc : memref<!tpu.dma_semaphore, #tpu.memory_space<semaphore_mem>>
      %dma_start3A = arith.constant 0 : i32
      %dma_start3A_15 = arith.constant 0 : i32
      %dma_start3A_16 = tpu.memref_slice %arg3[%add3A, %dma_start3A, %dma_start3A_15] : memref<32x79x128xi32, #tpu.memory_space<hbm>> -> memref<1x79x128xi32, #tpu.memory_space<hbm>>
      %dma_start3A_17 = tpu.memref_squeeze %dma_start3A_16 : memref<1x79x128xi32, #tpu.memory_space<hbm>> -> memref<79x128xi32, #tpu.memory_space<hbm>>
      %dma_start3A_18 = arith.constant 0 : i32
      %dma_start3A_19 = arith.constant 0 : i32
      %dma_start3A_20 = tpu.memref_slice %arg3[%add3A, %dma_start3A_18, %dma_start3A_19] : memref<32x79x128xi32, #tpu.memory_space<hbm>> -> memref<1x79x128xi32, #tpu.memory_space<hbm>>
      %dma_start3A_21 = tpu.memref_squeeze %dma_start3A_20 : memref<1x79x128xi32, #tpu.memory_space<hbm>> -> memref<79x128xi32, #tpu.memory_space<hbm>>
      tpu.enqueue_dma source(%dma_start3A_21 : memref<79x128xi32, #tpu.memory_space<hbm>>) target(%arg7 : memref<79x128xi32, #tpu.memory_space<vmem>>) target_semaphore(%run_scoped3A : memref<!tpu.dma_semaphore, #tpu.memory_space<semaphore_mem>>)
      %dma_wait3A = arith.constant 0 : i32
      %dma_wait3A_22 = arith.constant 0 : i32
      %dma_wait3A_23 = tpu.memref_slice %arg3[%add3A, %dma_wait3A, %dma_wait3A_22] : memref<32x79x128xi32, #tpu.memory_space<hbm>> -> memref<1x79x128xi32, #tpu.memory_space<hbm>>
      %dma_wait3A_24 = tpu.memref_squeeze %dma_wait3A_23 : memref<1x79x128xi32, #tpu.memory_space<hbm>> -> memref<79x128xi32, #tpu.memory_space<hbm>>
      %dma_wait3A_25 = arith.constant 0 : i32
      %dma_wait3A_26 = arith.constant 0 : i32
      %dma_wait3A_27 = tpu.memref_slice %arg3[%add3A, %dma_wait3A_25, %dma_wait3A_26] : memref<32x79x128xi32, #tpu.memory_space<hbm>> -> memref<1x79x128xi32, #tpu.memory_space<hbm>>
      %dma_wait3A_28 = tpu.memref_squeeze %dma_wait3A_27 : memref<1x79x128xi32, #tpu.memory_space<hbm>> -> memref<79x128xi32, #tpu.memory_space<hbm>>
      tpu.wait_dma2 semaphore(%run_scoped3A : memref<!tpu.dma_semaphore, #tpu.memory_space<semaphore_mem>>) src(%dma_wait3A_28 : memref<79x128xi32, #tpu.memory_space<hbm>>) dst(%arg7 : memref<79x128xi32, #tpu.memory_space<vmem>>)
      tpu.yield
    }) : () -> ()
    %scan3A = arith.constant 0 : i32
    %scan3A_1 = arith.constant 5 : i32
    %scan3A_2 = arith.addi %scan3A, %scan3A_1 : i32
    %scan3A_3 = arith.constant 1 : i32
    scf.for %scan3A_15 = %scan3A to %scan3A_2 step %scan3A_3  : i32 {
      %mul3A_16 = arith.constant 1 : i32
      %mul3A_17 = arith.muli %scan3A_15, %mul3A_16 : i32
      %add3A_18 = arith.constant 0 : i32
      %add3A_19 = arith.addi %add3A_18, %mul3A_17 : i32
      %mul3A_20 = arith.constant 640 : i32
      %mul3A_21 = arith.muli %arg1, %mul3A_20 : i32
      %mul3A_22 = arith.constant 128 : i32
      %mul3A_23 = arith.muli %add3A_19, %mul3A_22 : i32
      %add3A_24 = arith.addi %mul3A_21, %mul3A_23 : i32
      "tpu.region"() ({
        %run_scoped3A = tpu.sem_alloc : memref<!tpu.dma_semaphore, #tpu.memory_space<semaphore_mem>>
        %dma_start3A = arith.constant 0 : i32
        %dma_start3A_25 = tpu.memref_slice %arg10[%add3A_24, %dma_start3A] : memref<10240x128xf32, #tpu.memory_space<vmem_shared>> -> memref<128x128xf32, #tpu.memory_space<vmem_shared>>
        %dma_start3A_26 = arith.constant 10000 : i32
        %dma_start3A_27 = arith.constant 0 : i32
        %dma_start3A_28 = tpu.memref_slice %arg4[%dma_start3A_26, %dma_start3A_27] : memref<10240x128xf32, #tpu.memory_space<hbm>> -> memref<128x128xf32, #tpu.memory_space<hbm>>
        tpu.enqueue_dma source(%dma_start3A_28 : memref<128x128xf32, #tpu.memory_space<hbm>>) target(%dma_start3A_25 : memref<128x128xf32, #tpu.memory_space<vmem_shared>>) target_semaphore(%run_scoped3A : memref<!tpu.dma_semaphore, #tpu.memory_space<semaphore_mem>>)
        %dma_wait3A = arith.constant 0 : i32
        %dma_wait3A_29 = tpu.memref_slice %arg10[%add3A_24, %dma_wait3A] : memref<10240x128xf32, #tpu.memory_space<vmem_shared>> -> memref<128x128xf32, #tpu.memory_space<vmem_shared>>
        %dma_wait3A_30 = arith.constant 10000 : i32
        %dma_wait3A_31 = arith.constant 0 : i32
        %dma_wait3A_32 = tpu.memref_slice %arg4[%dma_wait3A_30, %dma_wait3A_31] : memref<10240x128xf32, #tpu.memory_space<hbm>> -> memref<128x128xf32, #tpu.memory_space<hbm>>
        tpu.wait_dma2 semaphore(%run_scoped3A : memref<!tpu.dma_semaphore, #tpu.memory_space<semaphore_mem>>) src(%dma_wait3A_32 : memref<128x128xf32, #tpu.memory_space<hbm>>) dst(%dma_wait3A_29 : memref<128x128xf32, #tpu.memory_space<vmem_shared>>)
        tpu.yield
      }) : () -> ()
    }
    %scan3A_4 = arith.constant 5 : i32
    %barrier3A = arith.constant 0 : index
    tpu.barrier barrier_id(%barrier3A)
    %scan3A_5 = arith.constant 0 : i32
    %scan3A_6 = arith.constant 79 : i32
    %scan3A_7 = arith.addi %scan3A_5, %scan3A_6 : i32
    %scan3A_8 = arith.constant 1 : i32
    scf.for %scan3A_15 = %scan3A_5 to %scan3A_7 step %scan3A_8  : i32 {
      %mul3A_16 = arith.constant 1 : i32
      %mul3A_17 = arith.muli %scan3A_15, %mul3A_16 : i32
      %add3A_18 = arith.constant 0 : i32
      %add3A_19 = arith.addi %add3A_18, %mul3A_17 : i32
      %dma_start3A = arith.constant 0 : i32
      %dma_start3A_20 = tpu.memref_slice %arg6[%add3A_19, %dma_start3A] : memref<79x128xi32, #tpu.memory_space<vmem>> -> memref<1x128xi32, #tpu.memory_space<vmem>>
      %dma_start3A_21 = tpu.memref_squeeze %dma_start3A_20 : memref<1x128xi32, #tpu.memory_space<vmem>> -> memref<128xi32, #tpu.memory_space<vmem>>
      %dma_start3A_22 = arith.constant 0 : i32
      %dma_start3A_23 = arith.constant 0 : i32
      %dma_start3A_24 = tpu.memref_slice %arg4[%dma_start3A_22, %dma_start3A_23] : memref<10240x128xf32, #tpu.memory_space<hbm>> -> memref<10240x128xf32, #tpu.memory_space<hbm>>
      tpu.enqueue_indirect_dma source(%dma_start3A_24 : memref<10240x128xf32, #tpu.memory_space<hbm>>) target(%arg8 : memref<128x128xf32, #tpu.memory_space<vmem>>) offsets(%dma_start3A_21 : memref<128xi32, #tpu.memory_space<vmem>>) semaphore(%arg9 : memref<!tpu.dma_semaphore, #tpu.memory_space<semaphore_mem>>)
      %dma_wait3A = arith.constant 0 : i32
      %dma_wait3A_25 = tpu.memref_slice %arg6[%add3A_19, %dma_wait3A] : memref<79x128xi32, #tpu.memory_space<vmem>> -> memref<1x128xi32, #tpu.memory_space<vmem>>
      %dma_wait3A_26 = tpu.memref_squeeze %dma_wait3A_25 : memref<1x128xi32, #tpu.memory_space<vmem>> -> memref<128xi32, #tpu.memory_space<vmem>>
      %dma_wait3A_27 = arith.constant 0 : i32
      %dma_wait3A_28 = arith.constant 0 : i32
      %dma_wait3A_29 = tpu.memref_slice %arg4[%dma_wait3A_27, %dma_wait3A_28] : memref<10240x128xf32, #tpu.memory_space<hbm>> -> memref<10240x128xf32, #tpu.memory_space<hbm>>
      tpu.wait_indirect_dma semaphore(%arg9 : memref<!tpu.dma_semaphore, #tpu.memory_space<semaphore_mem>>) src(%dma_wait3A_29 : memref<10240x128xf32, #tpu.memory_space<hbm>>) dst(%arg8 : memref<128x128xf32, #tpu.memory_space<vmem>>)
      "tpu.region"() ({
        %run_scoped3A = tpu.sem_alloc : memref<!tpu.dma_semaphore, #tpu.memory_space<semaphore_mem>>
        %dma_start3A_30 = arith.constant 0 : i32
        %dma_start3A_31 = tpu.memref_slice %arg7[%add3A_19, %dma_start3A_30] : memref<79x128xi32, #tpu.memory_space<vmem>> -> memref<1x128xi32, #tpu.memory_space<vmem>>
        %dma_start3A_32 = tpu.memref_squeeze %dma_start3A_31 : memref<1x128xi32, #tpu.memory_space<vmem>> -> memref<128xi32, #tpu.memory_space<vmem>>
        %dma_start3A_33 = arith.constant 0 : i32
        %dma_start3A_34 = arith.constant 0 : i32
        %dma_start3A_35 = tpu.memref_slice %arg10[%dma_start3A_33, %dma_start3A_34] : memref<10240x128xf32, #tpu.memory_space<vmem_shared>> -> memref<10240x128xf32, #tpu.memory_space<vmem_shared>>
        tpu.enqueue_indirect_dma source(%arg8 : memref<128x128xf32, #tpu.memory_space<vmem>>) target(%dma_start3A_35 : memref<10240x128xf32, #tpu.memory_space<vmem_shared>>) offsets(%dma_start3A_32 : memref<128xi32, #tpu.memory_space<vmem>>) semaphore(%run_scoped3A : memref<!tpu.dma_semaphore, #tpu.memory_space<semaphore_mem>>) {add = true}
        %dma_wait3A_36 = arith.constant 0 : i32
        %dma_wait3A_37 = tpu.memref_slice %arg7[%add3A_19, %dma_wait3A_36] : memref<79x128xi32, #tpu.memory_space<vmem>> -> memref<1x128xi32, #tpu.memory_space<vmem>>
        %dma_wait3A_38 = tpu.memref_squeeze %dma_wait3A_37 : memref<1x128xi32, #tpu.memory_space<vmem>> -> memref<128xi32, #tpu.memory_space<vmem>>
        %dma_wait3A_39 = arith.constant 0 : i32
        %dma_wait3A_40 = arith.constant 0 : i32
        %dma_wait3A_41 = tpu.memref_slice %arg10[%dma_wait3A_39, %dma_wait3A_40] : memref<10240x128xf32, #tpu.memory_space<vmem_shared>> -> memref<10240x128xf32, #tpu.memory_space<vmem_shared>>
        tpu.wait_indirect_dma semaphore(%run_scoped3A : memref<!tpu.dma_semaphore, #tpu.memory_space<semaphore_mem>>) src(%arg8 : memref<128x128xf32, #tpu.memory_space<vmem>>) dst(%dma_wait3A_41 : memref<10240x128xf32, #tpu.memory_space<vmem_shared>>)
        tpu.yield
      }) : () -> ()
    }
    %scan3A_9 = arith.constant 79 : i32
    %barrier3A_10 = arith.constant 0 : index
    tpu.barrier barrier_id(%barrier3A_10)
    %mul3A_11 = arith.constant 640 : i32
    %mul3A_12 = arith.muli %arg1, %mul3A_11 : i32
    %mul3A_13 = arith.constant 640 : i32
    %mul3A_14 = arith.muli %arg1, %mul3A_13 : i32
    "tpu.region"() ({
      %run_scoped3A = tpu.sem_alloc : memref<!tpu.dma_semaphore, #tpu.memory_space<semaphore_mem>>
      %dma_start3A = arith.constant 0 : i32
      %dma_start3A_15 = tpu.memref_slice %arg5[%arg0, %mul3A_14, %dma_start3A] : memref<2x10240x128xf32, #tpu.memory_space<hbm>> -> memref<1x640x128xf32, #tpu.memory_space<hbm>>
      %dma_start3A_16 = tpu.memref_squeeze %dma_start3A_15 : memref<1x640x128xf32, #tpu.memory_space<hbm>> -> memref<640x128xf32, #tpu.memory_space<hbm>>
      %dma_start3A_17 = arith.constant 0 : i32
      %dma_start3A_18 = tpu.memref_slice %arg10[%mul3A_12, %dma_start3A_17] : memref<10240x128xf32, #tpu.memory_space<vmem_shared>> -> memref<640x128xf32, #tpu.memory_space<vmem_shared>>
      tpu.enqueue_dma source(%dma_start3A_18 : memref<640x128xf32, #tpu.memory_space<vmem_shared>>) target(%dma_start3A_16 : memref<640x128xf32, #tpu.memory_space<hbm>>) target_semaphore(%run_scoped3A : memref<!tpu.dma_semaphore, #tpu.memory_space<semaphore_mem>>)
      %dma_wait3A = arith.constant 0 : i32
      %dma_wait3A_19 = tpu.memref_slice %arg5[%arg0, %mul3A_14, %dma_wait3A] : memref<2x10240x128xf32, #tpu.memory_space<hbm>> -> memref<1x640x128xf32, #tpu.memory_space<hbm>>
      %dma_wait3A_20 = tpu.memref_squeeze %dma_wait3A_19 : memref<1x640x128xf32, #tpu.memory_space<hbm>> -> memref<640x128xf32, #tpu.memory_space<hbm>>
      %dma_wait3A_21 = arith.constant 0 : i32
      %dma_wait3A_22 = tpu.memref_slice %arg10[%mul3A_12, %dma_wait3A_21] : memref<10240x128xf32, #tpu.memory_space<vmem_shared>> -> memref<640x128xf32, #tpu.memory_space<vmem_shared>>
      tpu.wait_dma2 semaphore(%run_scoped3A : memref<!tpu.dma_semaphore, #tpu.memory_space<semaphore_mem>>) src(%dma_wait3A_22 : memref<640x128xf32, #tpu.memory_space<vmem_shared>>) dst(%dma_wait3A_20 : memref<640x128xf32, #tpu.memory_space<hbm>>)
      tpu.yield
    }) : () -> ()
    return
  }
}

module attributes {stable_mosaic.version = 14 : i64} {
  func.func @_scale_body(%arg0: i32, %arg1: memref<512x128xf32, #tpu.memory_space<vmem>>, %arg2: memref<128x128xf32, #tpu.memory_space<vmem>>, %arg3: memref<512x1xf32, #tpu.memory_space<vmem>>, %arg4: memref<512x1xf32, #tpu.memory_space<vmem>>, %arg5: memref<512x128xf32, #tpu.memory_space<vmem>>, %arg6: memref<512x1xf32, #tpu.memory_space<vmem>>) attributes {dimension_semantics = [#tpu.dimension_semantics<arbitrary>], iteration_bounds = array<i64: 20>, scalar_prefetch = 0 : i64, scratch_operands = 0 : i64, tpu.core_type = #tpu.core_type<tc>, window_params = [{transform_indices = @transform_0, window_bounds = array<i64: 512, 128>}, {pipeline_mode = #tpu.pipeline_mode<synchronous>, transform_indices = @transform_1, window_bounds = array<i64: 128, 128>}, {transform_indices = @transform_2, window_bounds = array<i64: 512, 1>}, {transform_indices = @transform_3, window_bounds = array<i64: 512, 1>}, {transform_indices = @transform_4, window_bounds = array<i64: 512, 128>}, {transform_indices = @transform_5, window_bounds = array<i64: 512, 1>}]} {
    %get3A = arith.constant 0 : index
    %get3A_0 = arith.constant 0 : index
    %get3A_1 = vector.load %arg3[%get3A, %get3A_0] : memref<512x1xf32, #tpu.memory_space<vmem>>, vector<512x1xf32>
    %get3A_2 = arith.constant 0 : index
    %get3A_3 = arith.constant 0 : index
    %get3A_4 = vector.load %arg4[%get3A_2, %get3A_3] : memref<512x1xf32, #tpu.memory_space<vmem>>, vector<512x1xf32>
    %add3A = arith.addf %get3A_1, %get3A_4 : vector<512x1xf32>
    %add3A_5 = arith.constant 1.000000e+00 : f32
    %add3A_6 = vector.broadcast %add3A_5 : f32 to vector<512x1xf32>
    %add3A_7 = arith.addf %add3A, %add3A_6 : vector<512x1xf32>
    %rsqrt3A = math.rsqrt %add3A_7 : vector<512x1xf32>
    %get3A_8 = arith.constant 0 : index
    %get3A_9 = arith.constant 0 : index
    %get3A_10 = vector.load %arg1[%get3A_8, %get3A_9] : memref<512x128xf32, #tpu.memory_space<vmem>>, vector<512x128xf32>
    %get3A_11 = arith.constant 0 : index
    %get3A_12 = arith.constant 0 : index
    %get3A_13 = vector.load %arg2[%get3A_11, %get3A_12] : memref<128x128xf32, #tpu.memory_space<vmem>>, vector<128x128xf32>
    %dot_general3A = arith.constant dense<0.000000e+00> : vector<512x128xf32>
    %dot_general3A_14 = tpu.matmul %get3A_10, %get3A_13, %dot_general3A {dimension_numbers = #tpu.dot_dimension_numbers<[1], [0], [0], [1], [0, 0, 1, 1], [], []>, transpose_lhs_hint = false} : vector<512x128xf32>, vector<128x128xf32>, vector<512x128xf32> -> vector<512x128xf32>
    %mul3A = vector.broadcast %rsqrt3A : vector<512x1xf32> to vector<512x128xf32>
    %mul3A_15 = arith.mulf %dot_general3A_14, %mul3A : vector<512x128xf32>
    %swap3A = arith.constant 0 : index
    %swap3A_16 = arith.constant 0 : index
    %swap3A_17 = vector.load %arg5[%swap3A, %swap3A_16] : memref<512x128xf32, #tpu.memory_space<vmem>>, vector<512x128xf32>
    tpu.vector_store %arg5[%swap3A, %swap3A_16], %mul3A_15 {strides = array<i32>} : memref<512x128xf32, #tpu.memory_space<vmem>>, vector<512x128xf32>,
    %swap3A_18 = arith.constant 0 : index
    %swap3A_19 = arith.constant 0 : index
    %swap3A_20 = vector.load %arg6[%swap3A_18, %swap3A_19] : memref<512x1xf32, #tpu.memory_space<vmem>>, vector<512x1xf32>
    tpu.vector_store %arg6[%swap3A_18, %swap3A_19], %rsqrt3A {strides = array<i32>} : memref<512x1xf32, #tpu.memory_space<vmem>>, vector<512x1xf32>,
    return
  }
  func.func @transform_0(%arg0: i32) -> (i32, i32) {
    %c0_i32 = arith.constant 0 : i32
    %c0_i32_0 = arith.constant 0 : i32
    return %arg0, %c0_i32 : i32, i32
  }
  func.func @transform_1(%arg0: i32) -> (i32, i32) {
    %c0_i32 = arith.constant 0 : i32
    %c0_i32_0 = arith.constant 0 : i32
    %c0_i32_1 = arith.constant 0 : i32
    return %c0_i32, %c0_i32_0 : i32, i32
  }
  func.func @transform_2(%arg0: i32) -> (i32, i32) {
    %c0_i32 = arith.constant 0 : i32
    %c0_i32_0 = arith.constant 0 : i32
    return %arg0, %c0_i32 : i32, i32
  }
  func.func @transform_3(%arg0: i32) -> (i32, i32) {
    %c0_i32 = arith.constant 0 : i32
    %c0_i32_0 = arith.constant 0 : i32
    return %arg0, %c0_i32 : i32, i32
  }
  func.func @transform_4(%arg0: i32) -> (i32, i32) {
    %c0_i32 = arith.constant 0 : i32
    %c0_i32_0 = arith.constant 0 : i32
    return %arg0, %c0_i32 : i32, i32
  }
  func.func @transform_5(%arg0: i32) -> (i32, i32) {
    %c0_i32 = arith.constant 0 : i32
    %c0_i32_0 = arith.constant 0 : i32
    return %arg0, %c0_i32 : i32, i32
  }
}

module attributes {stable_mosaic.version = 14 : i64} {
  func.func @_combine_body(%arg0: i32, %arg1: memref<400x128xf32, #tpu.memory_space<vmem>>, %arg2: memref<400x128xf32, #tpu.memory_space<vmem>>, %arg3: memref<400x128xf32, #tpu.memory_space<vmem>>, %arg4: memref<400x1xf32, #tpu.memory_space<vmem>>, %arg5: memref<1x128xf32, #tpu.memory_space<vmem>>, %arg6: memref<400x128xf32, #tpu.memory_space<vmem>>) attributes {dimension_semantics = [#tpu.dimension_semantics<arbitrary>], iteration_bounds = array<i64: 25>, scalar_prefetch = 0 : i64, scratch_operands = 0 : i64, tpu.core_type = #tpu.core_type<tc>, window_params = [{transform_indices = @transform_0, window_bounds = array<i64: 400, 128>}, {transform_indices = @transform_1, window_bounds = array<i64: 400, 128>}, {transform_indices = @transform_2, window_bounds = array<i64: 400, 128>}, {transform_indices = @transform_3, window_bounds = array<i64: 400, 1>}, {pipeline_mode = #tpu.pipeline_mode<synchronous>, transform_indices = @transform_4, window_bounds = array<i64: 1, 128>}, {transform_indices = @transform_5, window_bounds = array<i64: 400, 128>}]} {
    %get3A = arith.constant 0 : index
    %get3A_0 = arith.constant 0 : index
    %get3A_1 = vector.load %arg1[%get3A, %get3A_0] : memref<400x128xf32, #tpu.memory_space<vmem>>, vector<400x128xf32>
    %get3A_2 = arith.constant 0 : index
    %get3A_3 = arith.constant 0 : index
    %get3A_4 = vector.load %arg2[%get3A_2, %get3A_3] : memref<400x128xf32, #tpu.memory_space<vmem>>, vector<400x128xf32>
    %add3A = arith.addf %get3A_1, %get3A_4 : vector<400x128xf32>
    %get3A_5 = arith.constant 0 : index
    %get3A_6 = arith.constant 0 : index
    %get3A_7 = vector.load %arg3[%get3A_5, %get3A_6] : memref<400x128xf32, #tpu.memory_space<vmem>>, vector<400x128xf32>
    %add3A_8 = arith.addf %add3A, %get3A_7 : vector<400x128xf32>
    %get3A_9 = arith.constant 0 : index
    %get3A_10 = arith.constant 0 : index
    %get3A_11 = vector.load %arg4[%get3A_9, %get3A_10] : memref<400x1xf32, #tpu.memory_space<vmem>>, vector<400x1xf32>
    %mul3A = vector.broadcast %get3A_11 : vector<400x1xf32> to vector<400x128xf32>
    %mul3A_12 = arith.mulf %add3A_8, %mul3A : vector<400x128xf32>
    %get3A_13 = arith.constant 0 : index
    %get3A_14 = arith.constant 0 : index
    %get3A_15 = vector.load %arg5[%get3A_13, %get3A_14] : memref<1x128xf32, #tpu.memory_space<vmem>>, vector<1x128xf32>
    %add3A_16 = vector.broadcast %get3A_15 : vector<1x128xf32> to vector<400x128xf32>
    %add3A_17 = arith.addf %mul3A_12, %add3A_16 : vector<400x128xf32>
    %swap3A = arith.constant 0 : index
    %swap3A_18 = arith.constant 0 : index
    %swap3A_19 = vector.load %arg6[%swap3A, %swap3A_18] : memref<400x128xf32, #tpu.memory_space<vmem>>, vector<400x128xf32>
    tpu.vector_store %arg6[%swap3A, %swap3A_18], %add3A_17 {strides = array<i32>} : memref<400x128xf32, #tpu.memory_space<vmem>>, vector<400x128xf32>,
    return
  }
  func.func @transform_0(%arg0: i32) -> (i32, i32) {
    %c0_i32 = arith.constant 0 : i32
    %c0_i32_0 = arith.constant 0 : i32
    return %arg0, %c0_i32 : i32, i32
  }
  func.func @transform_1(%arg0: i32) -> (i32, i32) {
    %c0_i32 = arith.constant 0 : i32
    %c0_i32_0 = arith.constant 0 : i32
    return %arg0, %c0_i32 : i32, i32
  }
  func.func @transform_2(%arg0: i32) -> (i32, i32) {
    %c0_i32 = arith.constant 0 : i32
    %c0_i32_0 = arith.constant 0 : i32
    return %arg0, %c0_i32 : i32, i32
  }
  func.func @transform_3(%arg0: i32) -> (i32, i32) {
    %c0_i32 = arith.constant 0 : i32
    %c0_i32_0 = arith.constant 0 : i32
    return %arg0, %c0_i32 : i32, i32
  }
  func.func @transform_4(%arg0: i32) -> (i32, i32) {
    %c0_i32 = arith.constant 0 : i32
    %c0_i32_0 = arith.constant 0 : i32
    %c0_i32_1 = arith.constant 0 : i32
    return %c0_i32, %c0_i32_0 : i32, i32
  }
  func.func @transform_5(%arg0: i32) -> (i32, i32) {
    %c0_i32 = arith.constant 0 : i32
    %c0_i32_0 = arith.constant 0 : i32
    return %arg0, %c0_i32 : i32, i32
  }
}

</mosaic_0001>

<sc_bundles>
// kernel: kernel.6.cloned.1.call-start
scs
__scs_entry_jumppad:
0x0: {  	(pc) =	sbr.rel $0x88, $3  }
0x1: {  	(tag) =	ssettag $0x0;
	lr =	simm.s32 $0x1  }
0x2: {  	[smem:$0x3F9D] =	sst lr;
	_ =	strace $0xD0000000  }
0x3: {  	_ = 	snop  }
0x4: {  	_ = 	snop  }
0x5: {  	_ = 	snop  }
0x6: {  	_ = 	snop  }
0x7: {  	_ = 	snop  }
__scs_overlays_trampoline_lowered:
0x8: {  	[smem:$0x3FAC] =	sst s0  }
0x9: {  	[smem:$0x3FAD] =	sst s1  }
0xa: {  	[smem:$0x3FAE] =	sst s2  }
0xb: {  	[smem:$0x3FAF] =	sst s3  }
0xc: {  	[smem:$0x3FB0] =	sst s4  }
0xd: {  	[smem:$0x3FB1] =	sst s5  }
0xe: {  	[smem:$0x3FB2] =	sst s6  }
0xf: {  	[smem:$0x3FB3] =	sst s7  }
0x10: {  	[smem:$0x3FB4] =	sst s8  }
0x11: {  	[smem:$0x3FB5] =	sst s9;
	s0 =	simm.s32 @!p0 $0x0  }
0x12: {  	s1 =	sld [smem:$0x3F9B];
	s0 =	simm.s32 @p0 $0x1  }
0x13: {  	[smem:$0x3FB6] =	sst s0;
	s0 =	simm.s32 @!p1 $0x0  }
0x14: {  	s2 =	sld [smem:$0x3F9A];
	s0 =	simm.s32 @p1 $0x1  }
0x15: {  	[smem:$0x3FB7] =	sst s0;
	s0 =	simm.s32 @!p2 $0x0  }
0x16: {  	s3 =	sld [smem:$0x3FDB];
	s0 =	simm.s32 @p2 $0x1  }
0x17: {  	s4 =	simm.s32 $0x1BF5;
	[smem:$0x3FB9] =	sst s0  }
0x18: {  	s0 =	sld [smem:$0x3F9C];
	_ =	swait.ge [sflag:s4], $0x0  }
0x19: {  	s7 =	sld [smem:$0x3F9D]  }
0x1a: {  	s8 =	sadd.s32 $0xFFFFE003, lr  }
0x1b: {  	s9 =	sadd.s32 $0xFFFFFEF7, lr;
	s5 =	simm.s32 $0xFFFFFFFF;
	p2 =	slt.u32 s8, $0xFFFFF086  }
0x1c: {  	p1 =	slt.u32 s9, $0xF7A;
	s5 =	simm.s32 @!p2 $0x0  }
0x1d: {  	s5 =	simm.s32 @p1 $0x1;
	p0 =	seq.s32 s7, s2  }
0x1e: {  	s7 =	smul.u32 @!p0 $0xF7A, s2;
	p2 =	seq.s32 @!p0 s5, $0x0  }
0x1f: {  	s9 =	smul.u32 $0xF7A, s1;
	s8 =	simm.s32 @!p0 $0x1BF5;
	p2 =	por !p2, p0  }
0x20: {  	[sflag:s8] =	ssyncset.s32 @!p0 $0xFFFFF086;
	s6 =	sadd.s32 @!p0 s3, s7;
	s7 =	simm.s32 @!p0 $0x108  }
0x21: {  	s3 =	sadd.s32 s3, s9;
	s6 =	sadd.s32 @!p0 $0x88, s6;
	s7 =	simm.s32 @p2 $0x1082  }
0x22: {  	[simem:s7], [sflag:s8] =	dma.local @!p0 [hbm:s6], $0xF7A  }
0x23: {  	s9 =	sor.u32 $0xD0000000, s2;
	s6 =	simm.s32 $0x108;
	_ =	swait.ge @!p0 [sflag:s8], $0x0  }
0x24: {  	s3 =	sadd.s32 $0x88, s3;
	s6 =	simm.s32 @!p1 $0x1082;
	[sflag:s4] =	ssyncset.s32 $0xFFFFF086  }
0x25: {  	[simem:s6], [sflag:s4] =	dma.local [hbm:s3], $0xF7A  }
0x26: {  	[smem:$0x3F9D] =	sst s1;
	(tag) =	ssettag s2;
	_ =	strace s9  }
0x27: {  	s1 =	sld [smem:$0x3FAD]  }
0x28: {  	s2 =	sld [smem:$0x3FAE]  }
0x29: {  	s4 =	sld [smem:$0x3FB0]  }
0x2a: {  	p0 =	seq.s32 s5, $0x0;
	s5 =	sld [smem:$0x3FB1]  }
0x2b: {  	s6 =	sld [smem:$0x3FB2]  }
0x2c: {  	s7 =	sld [smem:$0x3FB3]  }
0x2d: {  	s3 =	simm.s32 $0x108;
	s8 =	sld [smem:$0x3FB4]  }
0x2e: {  	s3 =	simm.s32 @!p0 $0x1082;
	s9 =	sld [smem:$0x3FB5]  }
0x2f: {  	lr =	sadd.s32 s0, s3;
	s0 =	sld [smem:$0x3FAC]  }
0x30: {  	s3 =	sld [smem:$0x3FAF]  }
0x31: {  	[smem:$0x3FB8] =	sst s10  }
0x32: {  	s10 =	sld [smem:$0x3FB6];
	_ =	sdelay $0x3  }
0x33: {  	p0 =	seq.s32 s10, $0x1;
	s10 =	sld [smem:$0x3FB8];
	_ =	sdelay $0x3  }
0x34: {  	[smem:$0x3FB8] =	sst s10  }
0x35: {  	s10 =	sld [smem:$0x3FB7];
	_ =	sdelay $0x3  }
0x36: {  	p1 =	seq.s32 s10, $0x1;
	s10 =	sld [smem:$0x3FB8];
	_ =	sdelay $0x3  }
0x37: {  	[smem:$0x3FB8] =	sst s10  }
0x38: {  	s10 =	sld [smem:$0x3FB9]  }
0x39: {  	_ = 	snop;
	(pc) =	sbr.ind lr, $3  }
0x3a: {  	_ = 	snop  }
0x3b: {  	_ = 	snop  }
0x3c: {  	p2 =	seq.s32 s10, $0x1;
	s10 =	sld [smem:$0x3FB8]  }
0x3d: {  	_ =	shalt  }
0x3e: {  	_ =	shalt  }
0x3f: {  	_ =	shalt  }
0x40: {  	_ =	shalt  }
0x41: {  	_ =	shalt  }
0x42: {  	_ =	shalt  }
0x43: {  	_ =	shalt  }
0x44: {  	_ =	shalt  }
0x45: {  	_ =	shalt  }
0x46: {  	_ =	shalt  }
0x47: {  	_ =	shalt  }
0x48: {  	_ =	shalt  }
0x49: {  	_ =	shalt  }
0x4a: {  	_ =	shalt  }
0x4b: {  	_ =	shalt  }
0x4c: {  	_ =	shalt  }
0x4d: {  	_ =	shalt  }
0x4e: {  	_ =	shalt  }
0x4f: {  	_ =	shalt  }
0x50: {  	_ =	shalt  }
0x51: {  	_ =	shalt  }
0x52: {  	_ =	shalt  }
0x53: {  	_ =	shalt  }
0x54: {  	_ =	shalt  }
0x55: {  	_ =	shalt  }
0x56: {  	_ =	shalt  }
0x57: {  	_ =	shalt  }
0x58: {  	_ =	shalt  }
0x59: {  	_ =	shalt  }
0x5a: {  	_ =	shalt  }
0x5b: {  	_ =	shalt  }
0x5c: {  	_ =	shalt  }
0x5d: {  	_ =	shalt  }
0x5e: {  	_ =	shalt  }
0x5f: {  	_ =	shalt  }
0x60: {  	_ =	shalt  }
0x61: {  	_ =	shalt  }
0x62: {  	_ =	shalt  }
0x63: {  	_ =	shalt  }
0x64: {  	_ =	shalt  }
0x65: {  	_ =	shalt  }
0x66: {  	_ =	shalt  }
0x67: {  	_ =	shalt  }
0x68: {  	_ =	shalt  }
0x69: {  	_ =	shalt  }
0x6a: {  	_ =	shalt  }
0x6b: {  	_ =	shalt  }
0x6c: {  	_ =	shalt  }
0x6d: {  	_ =	shalt  }
0x6e: {  	_ =	shalt  }
0x6f: {  	_ =	shalt  }
0x70: {  	_ =	shalt  }
0x71: {  	_ =	shalt  }
0x72: {  	_ =	shalt  }
0x73: {  	_ =	shalt  }
0x74: {  	_ =	shalt  }
0x75: {  	_ =	shalt  }
0x76: {  	_ =	shalt  }
0x77: {  	_ =	shalt  }
0x78: {  	_ =	shalt  }
0x79: {  	_ =	shalt  }
0x7a: {  	_ =	shalt  }
0x7b: {  	_ =	shalt  }
0x7c: {  	_ =	shalt  }
0x7d: {  	_ =	shalt  }
0x7e: {  	_ =	shalt  }
0x7f: {  	_ =	shalt  }
0x80: {  	_ =	shalt  }
0x81: {  	_ =	shalt  }
0x82: {  	_ =	shalt  }
0x83: {  	_ =	shalt  }
0x84: {  	_ =	shalt  }
0x85: {  	_ =	shalt  }
0x86: {  	_ =	shalt  }
0x87: {  	_ =	shalt  }
.Lfunc_end0:
.L_simem_size_0:
called_computation_lowered:
.L_overlay_start_0:
0x88: {  	s2 =	sld [smem:$0x3FD9]  }
0x89: {  	s3 =	sld [smem:$0x3FFE];
	_ =	sdelay $0x1  }
0x8a: {  	s1 =	srdreg.scid  }
0x8b: {  	s0 =	sand.u32 $0x1, s1  }
0x8c: {  	s16 =	sshll.u32 s0, $0xA;
	s2 =	sadd.s32 s3, s2  }
0x8d: {  	s2 =	sadd.s32 s2, s16  }
0x8e: {  	[smem:$0x3FC4] =	sst s2  }
0x8f: {  	_ = 	snop  }
0x90: {  	(tm) =	ssettm $0x1  }
0x91: {  	s17 =	sld [smem:$0x3FFB];
	_ =	sdelay $0x3  }
0x92: {  	_ =	strace s17  }
0x93: {  	s2 =	sld [smem:$0x3FFC];
	_ =	sdelay $0x3  }
0x94: {  	_ =	strace s2  }
0x95: {  	s2 =	sld [smem:$0x3FFD];
	_ =	sdelay $0x3  }
0x96: {  	_ =	strace s2  }
0x97: {  	_ =	strace $0x8FFFFFFF  }
0x98: {  	s18 =	sld [smem:$0x3FDB];
	_ =	sdelay $0x1  }
0x99: {  	s19 =	simm.s32 $_scs_section_size  }
0x9a: {  	s4 =	simm.s32 $_size__tile_overlayer_lowered;
	s5 =	simm.s32 $_tile_overlayer_lowered  }
0x9b: {  	s22 =	simm.s32 $0x1BFF;
	s21 =	sshll.u32 s5, $0x1;
	s2 =	sadd.s32 s19, s18  }
0x9c: {  	s6 =	simm.s32 $0x0;
	s20 =	sshll.u32 s4, $0x1;
	s4 =	sadd.s32 s21, s2  }
0x9d: {  	[timem:s6], [sflag:s22] =	dma.local [hbm:s4], s20  }
0x9e: {  	_ =	swait.ge [sflag:s22], s20  }
0x9f: {  	s3 =	ssub.s32 $0x0, s20;
	[sflag:s22] =	ssyncset.done $0x0  }
0xa0: {  	[sflag:s22] =	ssyncadd.s32 s3;
	_ =	sdelay $0x1  }
0xa1: {  	s23 =	simm.s32 $0x1B8B  }
0xa2: {  	_ =	swait.ge [sflag:s23], $0x1  }
0xa3: {  	[sflag:s23] =	ssyncset.done $0x0  }
0xa4: {  	s25 =	simm.s32 $0x1B8E;
	s24 =	sld [smem:$0x3FFE];
	[sflag:s23] =	ssyncadd.s32 $0xFFFFFFFF  }
0xa5: {  	s26 =	simm.s32 $execute0_lowered;
	[smem:$0x3FD2] =	sst s25  }
0xa6: {  	s4 =	sshll.u32 s26, $0x1;
	_ =	strace $0x80000046;
	[dreg:$0x1] =	wrdreg $0xFFFFFFFF  }
0xa7: {  	s28 =	simm.s32 $_size_execute0_lowered;
	s2 =	sadd.s32 s2, s4;
	[dreg:$0x0] =	wrdreg $0x0  }
0xa8: {  	s4 =	sshll.u32 s28, $0x1;
	[dreg:$0x2] =	wrdreg s2  }
0xa9: {  	[dreg:$0x3] =	wrdreg s4  }
0xaa: {  	[dreg:$0x4] =	wrdreg $0xC0  }
0xab: {  	_ =	task [dreg:s6], $0x5FFFF  }
0xac: {  	[dreg:$0x1] =	wrdreg $0xFFFFFFFF  }
0xad: {  	[dreg:$0x0] =	wrdreg $0x60  }
0xae: {  	[dreg:$0x2] =	wrdreg s24  }
0xaf: {  	[dreg:$0x3] =	wrdreg $0x54800  }
0xb0: {  	[dreg:$0x4] =	wrdreg $0x9  }
0xb1: {  	_ =	task.clear_ibuf [dreg:s6], $0x5FFFF;
	_ =	strace $0x90000046  }
0xb2: {  	s29 =	simm.s32 $0x9;
	_ =	strace $0x80000048  }
0xb3: {  	_ =	swait.ge [sflag:s29], $0x1  }
0xb4: {  	[sflag:s29] =	ssyncadd.s32 $0xFFFFFFFF  }
0xb5: {  	_ =	strace $0x90000048  }
0xb6: {  	_ =	sfence  }
0xb7: {  	s30 =	sld [smem:$0x0];
	_ =	sdelay $0x2  }
0xb8: {  	s31 =	sshll.u32 s1, $0xD;
	s1 =	sshrl.u32 s1, $0x2  }
0xb9: {  	s3 =	sand.u32 $0x4000, s31;
	s1 =	sadd.s32 s1, s30  }
0xba: {  	s0 =	sor.u32 s3, s0;
	s1 =	sshll.u32 s1, $0x11  }
0xbb: {  	s0 =	sor.u32 s1, s0  }
0xbc: {  	s0 =	sadd.s32 $0x8F2B, s0  }
0xbd: {  	[sflag:s0] =	ssyncadd.remote.s32 $0x1  }
0xbe: {  	_ =	sfence.sel $0xFFFF  }
0xbf: {  	[dreg:$0x0] =	wrdreg $0xFFFFFFFF;
	(pc) =	sbr.abs _section_cstart, $3  }
0xc0: {  	[dreg:$0x1] =	wrdreg $0xFFFFFFFF  }
0xc1: {  	_ =	task.clear_ibuf [dreg:s6], $0x2FFFF;
	_ =	strace $0x9FFFFFFF  }
0xc2: {  	(tm) =	ssettm $0x7FFFFFFF  }
0xc3: {  	_ =	shalt  }
tec
execute0_lowered:
.L_overlay_start_1:
0x0: {  	(tag) =	ssettag $0x1  }
0x1: {  	s4 =	rddreg [dreg:$0x0]  }
0x2: {  	s0 =	srdreg.scid;
	s5 =	rddreg [dreg:$0x1]  }
0x3: {  	s2 =	simm.s32 $0x0;
	s12 =	simm.s32 $0x4F80;
	s13 =	simm.s32 $0x100  }
0x4: {  	s14 =	simm.s32 $0x5200;
	s15 =	simm.s32 $0x0;
	s3 =	sand.u32 $0x1, s0  }
0x5: {  	s0 =	stileid.u32;
	[smem:$0x7FF] =	sst s2;
	s1 =	sshll.u32 s3, $0x4  }
0x6: {  	s7 =	sshll.u32 s0, $0x7;
	s8 =	smul.u32 $0x500, s0;
	s9 =	sshll.u32 s3, $0x7  }
0x7: {  	s10 =	sshrl.u32 s0, $0x3;
	s3 =	ssub.s32 $0x2, s3;
	s11 =	smul.u32 $0x5000, s0  }
0x8: {  	s1 =	sor.u32 s0, s1;
	s7 =	sand.u32 $0x380, s7;
	s28 =	smul.u32 $0x50000, s10  }
0x9: {  	s29 =	sshrl.u32 s3, $0x1;
	s1 =	sshrl.u32 s1, $0x3;
	s8 =	sor.u32 s9, s8  }
0xa: {  	s10 =	ssub.s32 s3, s29;
	s31 =	sshrl.u32 s11, $0x2;
	s6 =	smul.u32 $0x13C00, s1  }
0xb: {  	s9 =	simm.s32 $0x400;
	s11 =	simm.s32 $0x2780;
	s1 =	rddreg [dreg:$0x2]  }
0xc: {  	_ =	strace $0x80000047;
	s8 =	sshrl.u32 s8, $0x3;
	s6 =	sor.u32 s7, s6  }
0xd: {  	s30 =	sshrl.u32 s28, $0x2;
	s8 =	sadd.s32 s8, s4;
	s6 =	sshrl.u32 s6, $0x3  }
0xe: {  	s6 =	sadd.s32 s6, s4;
	s4 =	sadd.s32 s30, s5;
	s5 =	sadd.s32 s31, s5  }
0xf: {  	s3 =	sadd.s32 $0x1E00, s6;
	s4 =	sadd.s32 s7, s4;
	s6 =	sadd.s32 $0xBC00, s8  }
0x10: {  	v0 =	vimm.f32 $0.0e+00;
	s7 =	smax.u32 s10, $0x1;
	s8 =	simm.s32 $0x80;
	s10 =	simm.s32 $0x1  }
.LBB2_1:
0x11: {  	[tilespmem:s2], [sflag:$0x1] =	stream.strided.gather [hbm4b:s3+s8], $0x2780, s9, s8, $0x38;
	[tilespmem:$0x7C80] =	vst v63  }
0x12: {  	_ =	swait.ge [sflag:s10], $0x2780  }
0x13: {  	[sflag:s10] =	ssyncset.done $0x0  }
0x14: {  	s16 =	simm.s32 $0x0;
	[sflag:s10] =	ssyncadd.s32 $0xFFFFD880  }
.LBB2_2:
0x15: {  	p0 =	sne.s32 s16, $0x9FC0  }
.Ltmp0:
0x16: {  	_ = 	snop;
	(pc) =	sbr.rel @p0 .LBB2_2-.Ltmp0, $3  }
0x17: {  	_ =	sdelay $0x1  }
0x18: {  	s17 =	sshra.s32 s16, $0x2  }
0x19: {  	s16 =	sadd.s32 $0x40, s16;
	[tilespmem:s17+$0x2780] =	vst v0  }
0x1a: {  	s17 =	simm.s32 $0x0;
	s16 =	simm.s32 $0x40  }
.LBB2_4:
0x1b: {  	p0 =	sne.s32 s16, $0x9DC0;
	v1 =	vld [tilespmem:s17+$0x0];
	_ =	sdelay $0x4  }
0x1c: {  	v1 =	vshrl.u32 v1, $0xE  }
0x1d: {  	(xrf1) =	vunique.msk.u32 $0xffff, v1;
	_ =	sdelay $0xd  }
0x1e: {  	_, v2, vm0 =	vpop (xrf1);
	_ =	sdelay $0x1  }
.Ltmp1:
0x1f: {  	(pc) =	sbr.rel @p0 .LBB2_4-.Ltmp1, $3  }
0x20: {  	_ = 	snop  }
0x21: {  	v2 =	vcvt.s32.f32 v2;
	_ =	sdelay $0x1  }
0x22: {  	s17 =	sshra.s32 s16, $0x2;
	s16 =	sadd.s32 $0x40, s16;
	[tilespmem:v1+s11+$0x0] =	vst.idx.add.f32.msk vm0, v2  }
0x23: {  	v1 =	vld [tilespmem:s17+$0x0];
	_ =	sdelay $0x4  }
0x24: {  	v1 =	vshrl.u32 v1, $0xE  }
0x25: {  	(xrf1) =	vunique.msk.u32 $0xffff, v1;
	_ =	sdelay $0xd  }
0x26: {  	_, v2, vm0 =	vpop (xrf1);
	_ =	sdelay $0x3  }
0x27: {  	v2 =	vcvt.s32.f32 v2;
	_ =	sdelay $0x1  }
0x28: {  	[tilespmem:v1+s11+$0x0] =	vst.idx.add.f32.msk vm0, v2  }
0x29: {  	[spmem:s4] =	stream.strided.scatter [tilespmem:s11], [sflag:$0x1], $0x2800, s9, s8, $0x38;
	[tilespmem:$0x7C80] =	vst v63  }
0x2a: {  	_ =	swait.ge [sflag:s10], $0x2800  }
0x2b: {  	[sflag:s10] =	ssyncset.done $0x0  }
0x2c: {  	[sflag:s10] =	ssyncadd.s32 $0xFFFFD800  }
0x2d: {  	[bflag:$0x0] =	sbarrier.arrive $0xFFFF  }
0x2e: {  	[tilespmem:$0x5200] =	vst v0  }
0x2f: {  	[tilespmem:$0x5210] =	vst v0  }
0x30: {  	[tilespmem:$0x5220] =	vst v0  }
0x31: {  	[tilespmem:$0x5230] =	vst v0  }
0x32: {  	[tilespmem:$0x5240] =	vst v0  }
0x33: {  	[tilespmem:$0x5250] =	vst v0  }
0x34: {  	[tilespmem:$0x5260] =	vst v0  }
0x35: {  	[tilespmem:$0x5270] =	vst v0  }
0x36: {  	[tilespmem:$0x5280] =	vst v0  }
0x37: {  	[tilespmem:$0x5290] =	vst v0  }
0x38: {  	[tilespmem:$0x52A0] =	vst v0  }
0x39: {  	[tilespmem:$0x52B0] =	vst v0  }
0x3a: {  	[tilespmem:$0x52C0] =	vst v0  }
0x3b: {  	[tilespmem:$0x52D0] =	vst v0  }
0x3c: {  	[tilespmem:$0x52E0] =	vst v0  }
0x3d: {  	[tilespmem:$0x52F0] =	vst v0  }
0x3e: {  	[tilespmem:$0x5300] =	vst v0  }
0x3f: {  	[tilespmem:$0x5310] =	vst v0  }
0x40: {  	[tilespmem:$0x5320] =	vst v0  }
0x41: {  	[tilespmem:$0x5330] =	vst v0  }
0x42: {  	[tilespmem:$0x5340] =	vst v0  }
0x43: {  	[tilespmem:$0x5350] =	vst v0  }
0x44: {  	[tilespmem:$0x5360] =	vst v0  }
0x45: {  	[tilespmem:$0x5370] =	vst v0  }
0x46: {  	[tilespmem:$0x5380] =	vst v0  }
0x47: {  	[tilespmem:$0x5390] =	vst v0  }
0x48: {  	[tilespmem:$0x53A0] =	vst v0  }
0x49: {  	[tilespmem:$0x53B0] =	vst v0  }
0x4a: {  	[tilespmem:$0x53C0] =	vst v0  }
0x4b: {  	[tilespmem:$0x53D0] =	vst v0  }
0x4c: {  	[tilespmem:$0x53E0] =	vst v0  }
0x4d: {  	[tilespmem:$0x53F0] =	vst v0  }
0x4e: {  	[tilespmem:$0x5400] =	vst v0  }
0x4f: {  	[tilespmem:$0x5410] =	vst v0  }
0x50: {  	[tilespmem:$0x5420] =	vst v0  }
0x51: {  	[tilespmem:$0x5430] =	vst v0  }
0x52: {  	[tilespmem:$0x5440] =	vst v0  }
0x53: {  	[tilespmem:$0x5450] =	vst v0  }
0x54: {  	[tilespmem:$0x5460] =	vst v0  }
0x55: {  	s16 =	simm.s32 $0x0;
	[tilespmem:$0x5470] =	vst v0  }
.LBB2_6:
0x56: {  	s17 =	sshrl.u32 s16, $0x3  }
0x57: {  	s17 =	smul.u32 $0x50000, s17;
	_ =	sdelay $0x1  }
0x58: {  	s18 =	sshll.u32 s16, $0x7;
	s17 =	sshra.s32 s17, $0x2  }
0x59: {  	s18 =	sand.u32 $0x380, s18;
	s17 =	sadd.s32 s17, s5  }
0x5a: {  	s17 =	sadd.s32 s18, s17  }
0x5b: {  	[tilespmem:s12], [sflag:$0x1] =	stream.strided.gather [spmem:s17], $0x280, s9, s8, $0x38;
	[tilespmem:$0x7C80] =	vst v63  }
0x5c: {  	_ =	swait.ge [sflag:s10], $0x280  }
0x5d: {  	[sflag:s10] =	ssyncset.done $0x0  }
0x5e: {  	s17 =	simm.s32 $0x0;
	[sflag:s10] =	ssyncadd.s32 $0xFFFFFD80  }
0x5f: {  	s18 =	simm.s32 $0x40;
	v1 =	vld [tilespmem:s17+$0x4F80]  }
.LBB2_7:
0x60: {  	p0 =	sne.s32 s18, $0x9C0;
	v2 =	vld [tilespmem:s17+$0x5200];
	_ =	sdelay $0x2  }
.Ltmp2:
0x61: {  	(pc) =	sbr.rel @p0 .LBB2_7-.Ltmp2, $4  }
0x62: {  	_ = 	snop  }
0x63: {  	v2 =	vadd.f32 v1, v2  }
0x64: {  	s19 =	sshra.s32 s18, $0x2  }
0x65: {  	s18 =	sadd.s32 $0x40, s18;
	v1 =	vld [tilespmem:s19+$0x4F80];
	[tilespmem:s17+$0x5200] =	vst v2;
	s17 =	smov.u32 s19  }
0x66: {  	v2 =	vld [tilespmem:s17+$0x5200]  }
0x67: {  	s16 =	sadd.s32 $0x1, s16  }
0x68: {  	p0 =	sne.s32 s16, $0x10  }
.Ltmp3:
0x69: {  	_ = 	snop;
	(pc) =	sbr.rel @p0 .LBB2_6-.Ltmp3, $3  }
0x6a: {  	_ = 	snop  }
0x6b: {  	v1 =	vadd.f32 v1, v2;
	_ =	sdelay $0x1  }
0x6c: {  	[tilespmem:s17+$0x5200] =	vst v1  }
0x6d: {  	s15 =	sadd.s32 $0x1, s15  }
0x6e: {  	p0 =	sne.s32 s15, s7  }
.Ltmp4:
0x6f: {  	_ = 	snop;
	(pc) =	sbr.rel @p0 .LBB2_1-.Ltmp4, $4  }
0x70: {  	[hbm4b:s6+s8] =	stream.strided.scatter [tilespmem:s14], [sflag:$0x1], $0x280, s13, s8, $0x38;
	[tilespmem:$0x7C80] =	vst v63  }
0x71: {  	_ =	swait.ge [sflag:s10], $0x280  }
0x72: {  	[sflag:s10] =	ssyncset.done $0x0  }
0x73: {  	[sflag:s10] =	ssyncadd.s32 $0xFFFFFD80  }
0x74: {  	_ =	sfence.sel $0x180000  }
0x75: {  	[bflag:$0x0] =	sbarrier.arrive $0xFFFF  }
0x76: {  	p0 =	sne.s32 s0, $0x0;
	_ =	strace $0x90000047  }
0x77: {  	s0 =	sadd.s32 @!p0 $0x100000, s1;
	[bflag:$0x2] =	sbarrier.arrive $0xFFFF  }
0x78: {  	[sflag:s0] =	ssyncadd.tile.s32 @!p0 $0x1;
	_ =	shalt  }
.Lfunc_end2:
_tile_overlayer_lowered:
.L_overlay_start_2:
0x79: {  	(tag) =	ssettag $0x2  }
0x7a: {  	s0 =	rddreg [dreg:$0x0];
	s2 =	stileid.u32  }
0x7b: {  	s1 =	rddreg [dreg:$0x1];
	p0 =	sne.s32 s2, $0x0  }
0x7c: {  	s3 =	rddreg [dreg:$0x2];
	[bflag:$0x3] =	sbarrier.arrive $0xFFFF;
	s2 =	simm.s32 @!p0 $0x1C01  }
0x7d: {  	[timem:s3], [sflag:s2] =	dma.local @!p0 [hbm:s0], s1  }
0x7e: {  	s0 =	simm.s32 @!p0 $0x1  }
0x7f: {  	_ =	swait.ge @!p0 [sflag:s0], s1  }
0x80: {  	s1 =	ssub.s32 @!p0 $0x0, s1;
	[sflag:s0] =	ssyncset.done @!p0 $0x0  }
0x81: {  	[sflag:s0] =	ssyncadd.s32 @!p0 s1  }
0x82: {  	[bflag:$0x3] =	sbarrier.arrive $0xFFFF  }
0x83: {  	_ =	shalt  }

// kernel: kernel.9.cloned.1.call-start
scs
__scs_entry_jumppad:
0x0: {  	(pc) =	sbr.rel $0x88, $3  }
0x1: {  	(tag) =	ssettag $0x0;
	lr =	simm.s32 $0x1  }
0x2: {  	[smem:$0x3F9D] =	sst lr;
	_ =	strace $0xD0000000  }
0x3: {  	_ = 	snop  }
0x4: {  	_ = 	snop  }
0x5: {  	_ = 	snop  }
0x6: {  	_ = 	snop  }
0x7: {  	_ = 	snop  }
__scs_overlays_trampoline_lowered:
0x8: {  	[smem:$0x3FAC] =	sst s0  }
0x9: {  	[smem:$0x3FAD] =	sst s1  }
0xa: {  	[smem:$0x3FAE] =	sst s2  }
0xb: {  	[smem:$0x3FAF] =	sst s3  }
0xc: {  	[smem:$0x3FB0] =	sst s4  }
0xd: {  	[smem:$0x3FB1] =	sst s5  }
0xe: {  	[smem:$0x3FB2] =	sst s6  }
0xf: {  	[smem:$0x3FB3] =	sst s7  }
0x10: {  	[smem:$0x3FB4] =	sst s8  }
0x11: {  	[smem:$0x3FB5] =	sst s9;
	s0 =	simm.s32 @!p0 $0x0  }
0x12: {  	s1 =	sld [smem:$0x3F9B];
	s0 =	simm.s32 @p0 $0x1  }
0x13: {  	[smem:$0x3FB6] =	sst s0;
	s0 =	simm.s32 @!p1 $0x0  }
0x14: {  	s2 =	sld [smem:$0x3F9A];
	s0 =	simm.s32 @p1 $0x1  }
0x15: {  	[smem:$0x3FB7] =	sst s0;
	s0 =	simm.s32 @!p2 $0x0  }
0x16: {  	s3 =	sld [smem:$0x3FDB];
	s0 =	simm.s32 @p2 $0x1  }
0x17: {  	s4 =	simm.s32 $0x1BF5;
	[smem:$0x3FB9] =	sst s0  }
0x18: {  	s0 =	sld [smem:$0x3F9C];
	_ =	swait.ge [sflag:s4], $0x0  }
0x19: {  	s7 =	sld [smem:$0x3F9D]  }
0x1a: {  	s8 =	sadd.s32 $0xFFFFE003, lr  }
0x1b: {  	s9 =	sadd.s32 $0xFFFFFEF7, lr;
	s5 =	simm.s32 $0xFFFFFFFF;
	p2 =	slt.u32 s8, $0xFFFFF086  }
0x1c: {  	p1 =	slt.u32 s9, $0xF7A;
	s5 =	simm.s32 @!p2 $0x0  }
0x1d: {  	s5 =	simm.s32 @p1 $0x1;
	p0 =	seq.s32 s7, s2  }
0x1e: {  	s7 =	smul.u32 @!p0 $0xF7A, s2;
	p2 =	seq.s32 @!p0 s5, $0x0  }
0x1f: {  	s9 =	smul.u32 $0xF7A, s1;
	s8 =	simm.s32 @!p0 $0x1BF5;
	p2 =	por !p2, p0  }
0x20: {  	[sflag:s8] =	ssyncset.s32 @!p0 $0xFFFFF086;
	s6 =	sadd.s32 @!p0 s3, s7;
	s7 =	simm.s32 @!p0 $0x108  }
0x21: {  	s3 =	sadd.s32 s3, s9;
	s6 =	sadd.s32 @!p0 $0x88, s6;
	s7 =	simm.s32 @p2 $0x1082  }
0x22: {  	[simem:s7], [sflag:s8] =	dma.local @!p0 [hbm:s6], $0xF7A  }
0x23: {  	s9 =	sor.u32 $0xD0000000, s2;
	s6 =	simm.s32 $0x108;
	_ =	swait.ge @!p0 [sflag:s8], $0x0  }
0x24: {  	s3 =	sadd.s32 $0x88, s3;
	s6 =	simm.s32 @!p1 $0x1082;
	[sflag:s4] =	ssyncset.s32 $0xFFFFF086  }
0x25: {  	[simem:s6], [sflag:s4] =	dma.local [hbm:s3], $0xF7A  }
0x26: {  	[smem:$0x3F9D] =	sst s1;
	(tag) =	ssettag s2;
	_ =	strace s9  }
0x27: {  	s1 =	sld [smem:$0x3FAD]  }
0x28: {  	s2 =	sld [smem:$0x3FAE]  }
0x29: {  	s4 =	sld [smem:$0x3FB0]  }
0x2a: {  	p0 =	seq.s32 s5, $0x0;
	s5 =	sld [smem:$0x3FB1]  }
0x2b: {  	s6 =	sld [smem:$0x3FB2]  }
0x2c: {  	s7 =	sld [smem:$0x3FB3]  }
0x2d: {  	s3 =	simm.s32 $0x108;
	s8 =	sld [smem:$0x3FB4]  }
0x2e: {  	s3 =	simm.s32 @!p0 $0x1082;
	s9 =	sld [smem:$0x3FB5]  }
0x2f: {  	lr =	sadd.s32 s0, s3;
	s0 =	sld [smem:$0x3FAC]  }
0x30: {  	s3 =	sld [smem:$0x3FAF]  }
0x31: {  	[smem:$0x3FB8] =	sst s10  }
0x32: {  	s10 =	sld [smem:$0x3FB6];
	_ =	sdelay $0x3  }
0x33: {  	p0 =	seq.s32 s10, $0x1;
	s10 =	sld [smem:$0x3FB8];
	_ =	sdelay $0x3  }
0x34: {  	[smem:$0x3FB8] =	sst s10  }
0x35: {  	s10 =	sld [smem:$0x3FB7];
	_ =	sdelay $0x3  }
0x36: {  	p1 =	seq.s32 s10, $0x1;
	s10 =	sld [smem:$0x3FB8];
	_ =	sdelay $0x3  }
0x37: {  	[smem:$0x3FB8] =	sst s10  }
0x38: {  	s10 =	sld [smem:$0x3FB9]  }
0x39: {  	_ = 	snop;
	(pc) =	sbr.ind lr, $3  }
0x3a: {  	_ = 	snop  }
0x3b: {  	_ = 	snop  }
0x3c: {  	p2 =	seq.s32 s10, $0x1;
	s10 =	sld [smem:$0x3FB8]  }
0x3d: {  	_ =	shalt  }
0x3e: {  	_ =	shalt  }
0x3f: {  	_ =	shalt  }
0x40: {  	_ =	shalt  }
0x41: {  	_ =	shalt  }
0x42: {  	_ =	shalt  }
0x43: {  	_ =	shalt  }
0x44: {  	_ =	shalt  }
0x45: {  	_ =	shalt  }
0x46: {  	_ =	shalt  }
0x47: {  	_ =	shalt  }
0x48: {  	_ =	shalt  }
0x49: {  	_ =	shalt  }
0x4a: {  	_ =	shalt  }
0x4b: {  	_ =	shalt  }
0x4c: {  	_ =	shalt  }
0x4d: {  	_ =	shalt  }
0x4e: {  	_ =	shalt  }
0x4f: {  	_ =	shalt  }
0x50: {  	_ =	shalt  }
0x51: {  	_ =	shalt  }
0x52: {  	_ =	shalt  }
0x53: {  	_ =	shalt  }
0x54: {  	_ =	shalt  }
0x55: {  	_ =	shalt  }
0x56: {  	_ =	shalt  }
0x57: {  	_ =	shalt  }
0x58: {  	_ =	shalt  }
0x59: {  	_ =	shalt  }
0x5a: {  	_ =	shalt  }
0x5b: {  	_ =	shalt  }
0x5c: {  	_ =	shalt  }
0x5d: {  	_ =	shalt  }
0x5e: {  	_ =	shalt  }
0x5f: {  	_ =	shalt  }
0x60: {  	_ =	shalt  }
0x61: {  	_ =	shalt  }
0x62: {  	_ =	shalt  }
0x63: {  	_ =	shalt  }
0x64: {  	_ =	shalt  }
0x65: {  	_ =	shalt  }
0x66: {  	_ =	shalt  }
0x67: {  	_ =	shalt  }
0x68: {  	_ =	shalt  }
0x69: {  	_ =	shalt  }
0x6a: {  	_ =	shalt  }
0x6b: {  	_ =	shalt  }
0x6c: {  	_ =	shalt  }
0x6d: {  	_ =	shalt  }
0x6e: {  	_ =	shalt  }
0x6f: {  	_ =	shalt  }
0x70: {  	_ =	shalt  }
0x71: {  	_ =	shalt  }
0x72: {  	_ =	shalt  }
0x73: {  	_ =	shalt  }
0x74: {  	_ =	shalt  }
0x75: {  	_ =	shalt  }
0x76: {  	_ =	shalt  }
0x77: {  	_ =	shalt  }
0x78: {  	_ =	shalt  }
0x79: {  	_ =	shalt  }
0x7a: {  	_ =	shalt  }
0x7b: {  	_ =	shalt  }
0x7c: {  	_ =	shalt  }
0x7d: {  	_ =	shalt  }
0x7e: {  	_ =	shalt  }
0x7f: {  	_ =	shalt  }
0x80: {  	_ =	shalt  }
0x81: {  	_ =	shalt  }
0x82: {  	_ =	shalt  }
0x83: {  	_ =	shalt  }
0x84: {  	_ =	shalt  }
0x85: {  	_ =	shalt  }
0x86: {  	_ =	shalt  }
0x87: {  	_ =	shalt  }
.Lfunc_end0:
.L_simem_size_0:
called_computation.1_lowered:
.L_overlay_start_0:
0x88: {  	s2 =	sld [smem:$0x3FD9]  }
0x89: {  	s3 =	sld [smem:$0x3FFE];
	_ =	sdelay $0x1  }
0x8a: {  	s1 =	srdreg.scid  }
0x8b: {  	s0 =	sand.u32 $0x1, s1  }
0x8c: {  	s17 =	sshll.u32 s0, $0xA;
	s2 =	sadd.s32 s3, s2  }
0x8d: {  	s2 =	sadd.s32 s2, s17  }
0x8e: {  	[smem:$0x3FC4] =	sst s2  }
0x8f: {  	_ = 	snop  }
0x90: {  	s2 =	sld [smem:$0x3FD0];
	(tm) =	ssettm $0x1  }
0x91: {  	s18 =	sld [smem:$0x3FFB];
	_ =	sdelay $0x3  }
0x92: {  	_ =	strace s18  }
0x93: {  	s3 =	sld [smem:$0x3FFC];
	_ =	sdelay $0x3  }
0x94: {  	_ =	strace s3  }
0x95: {  	s3 =	sld [smem:$0x3FFD];
	_ =	sdelay $0x3  }
0x96: {  	_ =	strace s3  }
0x97: {  	_ =	strace $0x8FFFFFFF  }
0x98: {  	s19 =	sld [smem:$0x3FDB];
	_ =	sdelay $0x1  }
0x99: {  	s4 =	simm.s32 $_scs_section_size  }
0x9a: {  	s5 =	simm.s32 $_size__tile_overlayer_lowered;
	s6 =	simm.s32 $_tile_overlayer_lowered  }
0x9b: {  	s22 =	simm.s32 $0x1BFF;
	s21 =	sshll.u32 s6, $0x1;
	s3 =	sadd.s32 s4, s19  }
0x9c: {  	s7 =	simm.s32 $0x0;
	s20 =	sshll.u32 s5, $0x1;
	s5 =	sadd.s32 s21, s3  }
0x9d: {  	[timem:s7], [sflag:s22] =	dma.local [hbm:s5], s20  }
0x9e: {  	_ =	swait.ge [sflag:s22], s20  }
0x9f: {  	s4 =	ssub.s32 $0x0, s20;
	[sflag:s22] =	ssyncset.done $0x0  }
0xa0: {  	[sflag:s22] =	ssyncadd.s32 s4;
	_ =	sdelay $0x1  }
0xa1: {  	s23 =	simm.s32 $0x1B8B  }
0xa2: {  	_ =	swait.ge [sflag:s23], $0x1  }
0xa3: {  	[sflag:s23] =	ssyncset.done $0x0  }
0xa4: {  	s25 =	simm.s32 $0x1B8E;
	s24 =	sld [smem:$0x3FFE];
	[sflag:s23] =	ssyncadd.s32 $0xFFFFFFFF  }
0xa5: {  	s26 =	simm.s32 $execute0_lowered;
	[smem:$0x3FD2] =	sst s25  }
0xa6: {  	s5 =	sshll.u32 s26, $0x1;
	_ =	strace $0x80000049;
	[dreg:$0x1] =	wrdreg $0xFFFFFFFF  }
0xa7: {  	s28 =	simm.s32 $_size_execute0_lowered;
	s3 =	sadd.s32 s3, s5;
	[dreg:$0x0] =	wrdreg $0x0  }
0xa8: {  	s5 =	sshll.u32 s28, $0x1;
	[dreg:$0x2] =	wrdreg s3  }
0xa9: {  	[dreg:$0x3] =	wrdreg s5  }
0xaa: {  	[dreg:$0x4] =	wrdreg $0xC0  }
0xab: {  	_ =	task [dreg:s7], $0x5FFFF  }
0xac: {  	[dreg:$0x1] =	wrdreg $0xFFFFFFFF  }
0xad: {  	[dreg:$0x0] =	wrdreg $0x60  }
0xae: {  	[dreg:$0x2] =	wrdreg s2  }
0xaf: {  	[dreg:$0x3] =	wrdreg s24  }
0xb0: {  	[dreg:$0x4] =	wrdreg $0x90000  }
0xb1: {  	[dreg:$0x5] =	wrdreg $0x9  }
0xb2: {  	_ =	task.clear_ibuf [dreg:s7], $0x6FFFF;
	_ =	strace $0x90000049  }
0xb3: {  	s29 =	simm.s32 $0x9;
	_ =	strace $0x8000004B  }
0xb4: {  	_ =	swait.ge [sflag:s29], $0x1  }
0xb5: {  	[sflag:s29] =	ssyncadd.s32 $0xFFFFFFFF  }
0xb6: {  	_ =	strace $0x9000004B  }
0xb7: {  	_ =	sfence  }
0xb8: {  	s30 =	sld [smem:$0x0];
	_ =	sdelay $0x2  }
0xb9: {  	s31 =	sshll.u32 s1, $0xD;
	s1 =	sshrl.u32 s1, $0x2  }
0xba: {  	s3 =	sand.u32 $0x4000, s31;
	s1 =	sadd.s32 s1, s30  }
0xbb: {  	s0 =	sor.u32 s3, s0;
	s1 =	sshll.u32 s1, $0x11  }
0xbc: {  	s0 =	sor.u32 s1, s0  }
0xbd: {  	s0 =	sadd.s32 $0x8F2B, s0  }
0xbe: {  	[sflag:s0] =	ssyncadd.remote.s32 $0x1  }
0xbf: {  	_ =	sfence.sel $0xFFFF  }
0xc0: {  	[dreg:$0x0] =	wrdreg $0xFFFFFFFF;
	(pc) =	sbr.abs _section_cstart, $3  }
0xc1: {  	[dreg:$0x1] =	wrdreg $0xFFFFFFFF  }
0xc2: {  	_ =	task.clear_ibuf [dreg:s7], $0x2FFFF;
	_ =	strace $0x9FFFFFFF  }
0xc3: {  	(tm) =	ssettm $0x7FFFFFFF  }
tec
execute0_lowered:
.L_overlay_start_1:
0x0: {  	(tag) =	ssettag $0x1  }
0x1: {  	s5 =	rddreg [dreg:$0x0]  }
0x2: {  	s0 =	srdreg.scid;
	s7 =	rddreg [dreg:$0x1]  }
0x3: {  	s2 =	rddreg [dreg:$0x2];
	s3 =	simm.s32 $0x0;
	s18 =	simm.s32 $0x80  }
0x4: {  	s19 =	simm.s32 $0x5000;
	s20 =	simm.s32 $0x1;
	s4 =	sand.u32 $0x1, s0  }
0x5: {  	s21 =	simm.s32 $0x0;
	s0 =	stileid.u32;
	s8 =	smul.u32 $0x140000, s4  }
0x6: {  	[smem:$0x7FF] =	sst s3;
	s1 =	sshll.u32 s4, $0x4;
	s9 =	smul.u32 $0x14000, s0  }
0x7: {  	s29 =	ssub.s32 $0x2, s4;
	s12 =	smul.u32 $0x50000, s0;
	s4 =	sadd.s32 $0x16600, s7  }
0x8: {  	s31 =	sshll.u32 s0, $0x6;
	s1 =	sor.u32 s0, s1;
	s11 =	sshrl.u32 s29, $0x1  }
0x9: {  	s6 =	smul.u32 $0x500, s1;
	s1 =	rddreg [dreg:$0x3];
	_ =	strace $0x8000004A  }
0xa: {  	s8 =	sadd.s32 s9, s8;
	s9 =	ssub.s32 s29, s11;
	s30 =	sshrl.u32 s12, $0x2  }
0xb: {  	s11 =	simm.s32 $0x2800;
	s12 =	sor.u32 $0x1C02, s31;
	s8 =	sshrl.u32 s8, $0x3  }
0xc: {  	s13 =	sadd.s32 s30, s2;
	s9 =	smax.u32 s9, $0x1;
	s10 =	sadd.s32 s6, s7  }
0xd: {  	s8 =	sadd.s32 s8, s7;
	s5 =	sadd.s32 s5, s6;
	s7 =	sadd.s32 $0x3D700, s7  }
0xe: {  	s14 =	sadd.s32 $0x4000, s13;
	s15 =	sadd.s32 $0x8000, s13;
	s16 =	sadd.s32 $0xC000, s13  }
0xf: {  	s17 =	sadd.s32 $0x10000, s13;
	s13 =	sshrl.u32 s13, $0x3;
	s6 =	sadd.s32 $0xC600, s10  }
0x10: {  	s8 =	sadd.s32 $0x3E600, s8;
	s10 =	simm.s32 $0x2;
	s14 =	sshrl.u32 s14, $0x3  }
0x11: {  	s15 =	sshrl.u32 s15, $0x3;
	s16 =	sshrl.u32 s16, $0x3;
	s17 =	sshrl.u32 s17, $0x3  }
.LBB2_1:
0x12: {  	[tilespmem:s3], [sflag:$0x2] =	stream.linear.gather [hbm4b:s5+s3], $0x2780, $0x38;
	[tilespmem:$0x1D000] =	vst v63  }
0x13: {  	_ =	swait.ge [sflag:s10], $0x2780  }
0x14: {  	[sflag:s10] =	ssyncset.done $0x0  }
0x15: {  	[sflag:s10] =	ssyncadd.s32 $0xFFFFD880  }
0x16: {  	[tilespmem:s11], [sflag:$0x2] =	stream.linear.gather [hbm4b:s6+s3], $0x2780, $0x38;
	[tilespmem:$0x1D000] =	vst v63  }
0x17: {  	_ =	swait.ge [sflag:s10], $0x2780  }
0x18: {  	[sflag:s10] =	ssyncset.done $0x0  }
0x19: {  	[sflag:s10] =	ssyncadd.s32 $0xFFFFD880  }
0x1a: {  	[spmem:s13], [sflag:s12] =	dma.local [hbm:s7], $0x800  }
0x1b: {  	_ =	swait.ge [sflag:s10], $0x800  }
0x1c: {  	[sflag:s10] =	ssyncset.done $0x0  }
0x1d: {  	[sflag:s10] =	ssyncadd.s32 $0xFFFFF800  }
0x1e: {  	[spmem:s14], [sflag:s12] =	dma.local [hbm:s7], $0x800  }
0x1f: {  	_ =	swait.ge [sflag:s10], $0x800  }
0x20: {  	[sflag:s10] =	ssyncset.done $0x0  }
0x21: {  	[sflag:s10] =	ssyncadd.s32 $0xFFFFF800  }
0x22: {  	[spmem:s15], [sflag:s12] =	dma.local [hbm:s7], $0x800  }
0x23: {  	_ =	swait.ge [sflag:s10], $0x800  }
0x24: {  	[sflag:s10] =	ssyncset.done $0x0  }
0x25: {  	[sflag:s10] =	ssyncadd.s32 $0xFFFFF800  }
0x26: {  	[spmem:s16], [sflag:s12] =	dma.local [hbm:s7], $0x800  }
0x27: {  	_ =	swait.ge [sflag:s10], $0x800  }
0x28: {  	[sflag:s10] =	ssyncset.done $0x0  }
0x29: {  	[sflag:s10] =	ssyncadd.s32 $0xFFFFF800  }
0x2a: {  	[spmem:s17], [sflag:s12] =	dma.local [hbm:s7], $0x800  }
0x2b: {  	_ =	swait.ge [sflag:s10], $0x800  }
0x2c: {  	[sflag:s10] =	ssyncset.done $0x0  }
0x2d: {  	[sflag:s10] =	ssyncadd.s32 $0xFFFFF800  }
0x2e: {  	s22 =	simm.s32 $0x0;
	[bflag:$0x0] =	sbarrier.arrive $0xFFFF  }
0x2f: {  	[tilespmem:s19], [sflag:$0x1] =	stream.indirect.gather [hbm4b:s4+s18], $0x80, s22, s18, $0xb8;
	[tilespmem:$0x1D000] =	vst v63  }
0x30: {  	_ =	swait.ge [sflag:s20], $0x4000  }
0x31: {  	[sflag:s20] =	ssyncset.done $0x0  }
0x32: {  	s31 =	simm.s32 $0x2800;
	[sflag:s20] =	ssyncadd.s32 $0xFFFFC000  }
0x33: {  	[spmem:s2] =	stream.indirect.scatter.add.f32 [tilespmem:s19], [sflag:$0x2], $0x80, s31, s18, $0xb8;
	[tilespmem:$0x1D000] =	vst v63  }
0x34: {  	_ =	swait.ge [sflag:s10], $0x4000  }
0x35: {  	s23 =	simm.s32 $0x400;
	s22 =	simm.s32 $0x200;
	[sflag:s10] =	ssyncset.done $0x0  }
.LBB2_2:
0x36: {  	s24 =	sshra.s32 s22, $0x2  }
0x37: {  	[sflag:s10] =	ssyncadd.s32 $0xFFFFC000;
	s22 =	smov.u32 s23;
	s25 =	sadd.s32 $0x200, s23  }
0x38: {  	[tilespmem:s19], [sflag:$0x1] =	stream.indirect.gather [hbm4b:s4+s18], $0x80, s24, s18, $0xb8;
	[tilespmem:$0x1D000] =	vst v63  }
0x39: {  	p0 =	sne.s32 s23, $0x9C00;
	_ =	swait.ge [sflag:s20], $0x4000  }
.Ltmp0:
0x3a: {  	[sflag:s20] =	ssyncset.done $0x0;
	(pc) =	sbr.rel @p0 .LBB2_2-.Ltmp0, $4  }
0x3b: {  	s23 =	sadd.s32 $0x2800, s24;
	[sflag:s20] =	ssyncadd.s32 $0xFFFFC000  }
0x3c: {  	[spmem:s2] =	stream.indirect.scatter.add.f32 [tilespmem:s19], [sflag:$0x2], $0x80, s23, s18, $0xb8;
	[tilespmem:$0x1D000] =	vst v63  }
0x3d: {  	_ =	swait.ge [sflag:s10], $0x4000  }
0x3e: {  	s23 =	smov.u32 s25;
	[sflag:s10] =	ssyncset.done $0x0  }
0x3f: {  	s22 =	sshra.s32 s22, $0x2;
	[sflag:s10] =	ssyncadd.s32 $0xFFFFC000  }
0x40: {  	[tilespmem:s19], [sflag:$0x1] =	stream.indirect.gather [hbm4b:s4+s18], $0x80, s22, s18, $0xb8;
	[tilespmem:$0x1D000] =	vst v63  }
0x41: {  	_ =	swait.ge [sflag:s20], $0x4000  }
0x42: {  	[sflag:s20] =	ssyncset.done $0x0  }
0x43: {  	s22 =	sadd.s32 $0x2800, s22;
	[sflag:s20] =	ssyncadd.s32 $0xFFFFC000  }
0x44: {  	[spmem:s2] =	stream.indirect.scatter.add.f32 [tilespmem:s19], [sflag:$0x2], $0x80, s22, s18, $0xb8;
	[tilespmem:$0x1D000] =	vst v63  }
0x45: {  	_ =	swait.ge [sflag:s10], $0x4000  }
0x46: {  	s21 =	sadd.s32 $0x1, s21;
	[sflag:s10] =	ssyncset.done $0x0  }
0x47: {  	p0 =	sne.s32 s21, s9;
	[sflag:s10] =	ssyncadd.s32 $0xFFFFC000  }
.Ltmp1:
0x48: {  	[bflag:$0x0] =	sbarrier.arrive $0xFFFF;
	(pc) =	sbr.rel @p0 .LBB2_1-.Ltmp1, $4  }
0x49: {  	[hbm:s8], [sflag:s12] =	dma.local [spmem:s13], $0x2800  }
0x4a: {  	_ =	swait.ge [sflag:s10], $0x2800  }
0x4b: {  	[sflag:s10] =	ssyncset.done $0x0  }
0x4c: {  	[sflag:s10] =	ssyncadd.s32 $0xFFFFD800  }
0x4d: {  	_ =	sfence.sel $0x180000  }
0x4e: {  	[bflag:$0x0] =	sbarrier.arrive $0xFFFF  }
0x4f: {  	p0 =	sne.s32 s0, $0x0;
	_ =	strace $0x9000004A  }
0x50: {  	s0 =	sadd.s32 @!p0 $0x100000, s1;
	[bflag:$0x2] =	sbarrier.arrive $0xFFFF  }
0x51: {  	[sflag:s0] =	ssyncadd.tile.s32 @!p0 $0x1;
	_ =	shalt  }
.Lfunc_end2:
_tile_overlayer_lowered:
.L_overlay_start_2:
0x52: {  	(tag) =	ssettag $0x2  }
0x53: {  	s0 =	rddreg [dreg:$0x0];
	s2 =	stileid.u32  }
0x54: {  	s1 =	rddreg [dreg:$0x1];
	p0 =	sne.s32 s2, $0x0  }
0x55: {  	s3 =	rddreg [dreg:$0x2];
	[bflag:$0x3] =	sbarrier.arrive $0xFFFF;
	s2 =	simm.s32 @!p0 $0x1C02  }
0x56: {  	[timem:s3], [sflag:s2] =	dma.local @!p0 [hbm:s0], s1  }
0x57: {  	s0 =	simm.s32 @!p0 $0x2  }
0x58: {  	_ =	swait.ge @!p0 [sflag:s0], s1  }
0x59: {  	s1 =	ssub.s32 @!p0 $0x0, s1;
	[sflag:s0] =	ssyncset.done @!p0 $0x0  }
0x5a: {  	[sflag:s0] =	ssyncadd.s32 @!p0 s1  }
0x5b: {  	[bflag:$0x3] =	sbarrier.arrive $0xFFFF  }
0x5c: {  	_ =	shalt  }

</sc_bundles>
